<compile_context>
chip_gen: v7x
topology: tpu7x:2x2x1
jax: 0.10.2.dev20260603
libtpu: 0.0.44.dev20260713+nightly
codegen_flags: <defaults>
</compile_context>

<pallas_src>
import jax
import jax.numpy as jnp
from jax import lax
from jax.experimental import pallas as pl
from jax.experimental.pallas import tpu as pltpu
from jax.experimental.pallas import tpu_sc as plsc

NUM_CORES = 2
NUM_SUBCORES = 16
NUM_WORKERS = NUM_CORES * NUM_SUBCORES

BATCH = 16384
HIST = 50
EMBED_DIM = 64
VOCAB = 1000000
ROW_PAD = 128
XROWS_PER_WORKER = BATCH // NUM_WORKERS
NBUF = 8
N_STEPS = XROWS_PER_WORKER

_VBLK = 4096


def _table_body(wt_ref, o_ref):
    o_ref[:, pl.ds(0, EMBED_DIM)] = jnp.transpose(wt_ref[...])


def _build_table(wt):
    grid = (pl.cdiv(VOCAB, _VBLK),)
    return pl.pallas_call(
        _table_body,
        grid=grid,
        in_specs=[pl.BlockSpec((EMBED_DIM, _VBLK), lambda i: (0, i))],
        out_specs=pl.BlockSpec((_VBLK, ROW_PAD), lambda i: (i, 0)),
        out_shape=jax.ShapeDtypeStruct((VOCAB, ROW_PAD), jnp.float32),
    )(wt)


def _emb_kernel(x_hbm, table_hbm, out_hbm, idx_all, *scratch):
    rows = scratch[:NBUF]
    gsem = scratch[NBUF:2 * NBUF]
    wsem = scratch[2 * NBUF:3 * NBUF]

    wid = lax.axis_index("s") * NUM_CORES + lax.axis_index("c")
    xrow0 = wid * XROWS_PER_WORKER

    pltpu.sync_copy(x_hbm.at[pl.ds(xrow0, XROWS_PER_WORKER), :], idx_all)

    def idx_slice(r):
        return idx_all.at[r, :]

    def out_slice(r):
        return out_hbm.at[xrow0 + r, :, :]

    for b in range(NBUF):
        pltpu.async_copy(table_hbm.at[idx_slice(b)], rows[b], gsem[b])

    @pl.loop(0, N_STEPS, step=NBUF)
    def _round(r0):
        for b in range(NBUF):
            r = r0 + b
            pltpu.make_async_copy(table_hbm.at[idx_slice(r)], rows[b],
                                  gsem[b]).wait()
            pltpu.async_copy(rows[b], out_slice(r), wsem[b])
            nxt = r + NBUF

            @pl.when(nxt < N_STEPS)
            def _refill():
                pltpu.make_async_copy(rows[b], out_slice(r), wsem[b]).wait()
                pltpu.async_copy(table_hbm.at[idx_slice(nxt)], rows[b],
                                 gsem[b])

    for b in range(NBUF):
        r_last = N_STEPS - NBUF + b
        pltpu.make_async_copy(rows[b], out_slice(r_last), wsem[b]).wait()


@jax.jit
def _embedding_lookup(idx, table):
    mesh = plsc.VectorSubcoreMesh(core_axis_name="c", subcore_axis_name="s")
    run = pl.kernel(
        _emb_kernel,
        out_type=jax.ShapeDtypeStruct((BATCH, HIST, ROW_PAD), jnp.float32),
        mesh=mesh,
        scratch_types=(
            [pltpu.VMEM((XROWS_PER_WORKER, HIST), jnp.int32)]
            + [pltpu.VMEM((HIST, ROW_PAD), jnp.float32)
               for _ in range(NBUF)]
            + [pltpu.SemaphoreType.DMA for _ in range(2 * NBUF)]
        ),
        compiler_params=pltpu.CompilerParams(use_tc_tiling_on_sc=True),
    )
    return run(idx, table)


def kernel(x, w):
    table = _build_table(w.T)
    o128 = _embedding_lookup(x.astype(jnp.int32), table)
    return o128[:, :, :EMBED_DIM]

# --- scband reference (transcript-rebuilt; emitter-appended) ---
"""Pipeline reference for scband-embedding-52347061403653 (READ-ONLY COPY).

The authoritative reference and input builder live on the scoring server;
editing this copy changes nothing except your own understanding.
"""

import jax, jax.numpy as jnp
import numpy as np

INPUT_DIM = 1000000
EMBED_DIM = 64
BATCH = 16384
HIST = 50

def setup_inputs(seed: int = 0) -> dict:
    key = jax.random.key(seed)
    k1, k2 = jax.random.split(key)
    x = jax.random.randint(k1, (BATCH, HIST), 0, INPUT_DIM, dtype=jnp.int64)
    std = 2.0 / (INPUT_DIM + EMBED_DIM)
    # truncated normal in [-3*std, 3*std] with mean 0, std=std
    w = std * jax.random.truncated_normal(k2, -3.0, 3.0, (INPUT_DIM, EMBED_DIM), dtype=jnp.float32)
    return {"x": x, "w": w}

def reference(x, w):
    # Embedding lookup: w[x] -> [..., embed_dim]
    return jnp.take(w, x, axis=0)

if __name__ == "__main__":
    import jax
    _d = setup_inputs()
    print(jax.jit(kernel)(*tuple(_d.values())))

</pallas_src>

<mosaic_0001>
#map = affine_map<(d0, d1) -> (0, 0)>
#map1 = affine_map<(d0, d1) -> (0, 0, 0)>
module attributes {stable_mosaic.version = 14 : i64} {
  func.func @_emb_kernel(%arg0: i32, %arg1: i32, %arg2: memref<16384x50xi32, #tpu.memory_space<hbm>>, %arg3: memref<1000000x128xf32, #tpu.memory_space<hbm>>, %arg4: memref<16384x50x128xf32, #tpu.memory_space<hbm>>, %arg5: memref<512x50xi32, #tpu.memory_space<vmem>>, %arg6: memref<50x128xf32, #tpu.memory_space<vmem>>, %arg7: memref<50x128xf32, #tpu.memory_space<vmem>>, %arg8: memref<50x128xf32, #tpu.memory_space<vmem>>, %arg9: memref<50x128xf32, #tpu.memory_space<vmem>>, %arg10: memref<50x128xf32, #tpu.memory_space<vmem>>, %arg11: memref<50x128xf32, #tpu.memory_space<vmem>>, %arg12: memref<50x128xf32, #tpu.memory_space<vmem>>, %arg13: memref<50x128xf32, #tpu.memory_space<vmem>>, %arg14: memref<!tpu.dma_semaphore, #tpu.memory_space<semaphore_mem>>, %arg15: memref<!tpu.dma_semaphore, #tpu.memory_space<semaphore_mem>>, %arg16: memref<!tpu.dma_semaphore, #tpu.memory_space<semaphore_mem>>, %arg17: memref<!tpu.dma_semaphore, #tpu.memory_space<semaphore_mem>>, %arg18: memref<!tpu.dma_semaphore, #tpu.memory_space<semaphore_mem>>, %arg19: memref<!tpu.dma_semaphore, #tpu.memory_space<semaphore_mem>>, %arg20: memref<!tpu.dma_semaphore, #tpu.memory_space<semaphore_mem>>, %arg21: memref<!tpu.dma_semaphore, #tpu.memory_space<semaphore_mem>>, %arg22: memref<!tpu.dma_semaphore, #tpu.memory_space<semaphore_mem>>, %arg23: memref<!tpu.dma_semaphore, #tpu.memory_space<semaphore_mem>>, %arg24: memref<!tpu.dma_semaphore, #tpu.memory_space<semaphore_mem>>, %arg25: memref<!tpu.dma_semaphore, #tpu.memory_space<semaphore_mem>>, %arg26: memref<!tpu.dma_semaphore, #tpu.memory_space<semaphore_mem>>, %arg27: memref<!tpu.dma_semaphore, #tpu.memory_space<semaphore_mem>>, %arg28: memref<!tpu.dma_semaphore, #tpu.memory_space<semaphore_mem>>, %arg29: memref<!tpu.dma_semaphore, #tpu.memory_space<semaphore_mem>>) attributes {dimension_semantics = [#tpu.dimension_semantics<core_parallel>, #tpu.dimension_semantics<subcore_parallel>], iteration_bounds = array<i64: 2, 16>, scalar_prefetch = 0 : i64, scratch_operands = 25 : i64, tpu.core_type = #tpu.core_type<sc_vector_subcore>, window_params = [{transform_indices = #map}, {transform_indices = #map}, {transform_indices = #map1}]} {
    %mul3A = arith.constant 2 : i32
    %mul3A_0 = arith.muli %arg1, %mul3A : i32
    %add3A = arith.addi %mul3A_0, %arg0 : i32
    %mul3A_1 = arith.constant 512 : i32
    %mul3A_2 = arith.muli %add3A, %mul3A_1 : i32
    "tpu.region"() ({
      %run_scoped3A = tpu.sem_alloc : memref<!tpu.dma_semaphore, #tpu.memory_space<semaphore_mem>>
      %dma_start3A_141 = arith.constant 0 : i32
      %dma_start3A_142 = tpu.memref_slice %arg2[%mul3A_2, %dma_start3A_141] : memref<16384x50xi32, #tpu.memory_space<hbm>> -> memref<512x50xi32, #tpu.memory_space<hbm>>
      %dma_start3A_143 = arith.constant 0 : i32
      %dma_start3A_144 = tpu.memref_slice %arg2[%mul3A_2, %dma_start3A_143] : memref<16384x50xi32, #tpu.memory_space<hbm>> -> memref<512x50xi32, #tpu.memory_space<hbm>>
      tpu.enqueue_dma source(%dma_start3A_144 : memref<512x50xi32, #tpu.memory_space<hbm>>) target(%arg5 : memref<512x50xi32, #tpu.memory_space<vmem>>) target_semaphore(%run_scoped3A : memref<!tpu.dma_semaphore, #tpu.memory_space<semaphore_mem>>)
      %dma_wait3A_145 = arith.constant 0 : i32
      %dma_wait3A_146 = tpu.memref_slice %arg2[%mul3A_2, %dma_wait3A_145] : memref<16384x50xi32, #tpu.memory_space<hbm>> -> memref<512x50xi32, #tpu.memory_space<hbm>>
      %dma_wait3A_147 = arith.constant 0 : i32
      %dma_wait3A_148 = tpu.memref_slice %arg2[%mul3A_2, %dma_wait3A_147] : memref<16384x50xi32, #tpu.memory_space<hbm>> -> memref<512x50xi32, #tpu.memory_space<hbm>>
      tpu.wait_dma2 semaphore(%run_scoped3A : memref<!tpu.dma_semaphore, #tpu.memory_space<semaphore_mem>>) src(%dma_wait3A_148 : memref<512x50xi32, #tpu.memory_space<hbm>>) dst(%arg5 : memref<512x50xi32, #tpu.memory_space<vmem>>)
      tpu.yield
    }) : () -> ()
    %dma_start3A = arith.constant 0 : i32
    %dma_start3A_3 = arith.constant 0 : i32
    %dma_start3A_4 = tpu.memref_slice %arg5[%dma_start3A, %dma_start3A_3] : memref<512x50xi32, #tpu.memory_space<vmem>> -> memref<1x50xi32, #tpu.memory_space<vmem>>
    %dma_start3A_5 = tpu.memref_squeeze %dma_start3A_4 : memref<1x50xi32, #tpu.memory_space<vmem>> -> memref<50xi32, #tpu.memory_space<vmem>>
    %dma_start3A_6 = arith.constant 0 : i32
    %dma_start3A_7 = arith.constant 0 : i32
    %dma_start3A_8 = tpu.memref_slice %arg3[%dma_start3A_6, %dma_start3A_7] : memref<1000000x128xf32, #tpu.memory_space<hbm>> -> memref<1000000x128xf32, #tpu.memory_space<hbm>>
    tpu.enqueue_indirect_dma source(%dma_start3A_8 : memref<1000000x128xf32, #tpu.memory_space<hbm>>) target(%arg6 : memref<50x128xf32, #tpu.memory_space<vmem>>) offsets(%dma_start3A_5 : memref<50xi32, #tpu.memory_space<vmem>>) semaphore(%arg14 : memref<!tpu.dma_semaphore, #tpu.memory_space<semaphore_mem>>)
    %dma_start3A_9 = arith.constant 1 : i32
    %dma_start3A_10 = arith.constant 0 : i32
    %dma_start3A_11 = tpu.memref_slice %arg5[%dma_start3A_9, %dma_start3A_10] : memref<512x50xi32, #tpu.memory_space<vmem>> -> memref<1x50xi32, #tpu.memory_space<vmem>>
    %dma_start3A_12 = tpu.memref_squeeze %dma_start3A_11 : memref<1x50xi32, #tpu.memory_space<vmem>> -> memref<50xi32, #tpu.memory_space<vmem>>
    %dma_start3A_13 = arith.constant 0 : i32
    %dma_start3A_14 = arith.constant 0 : i32
    %dma_start3A_15 = tpu.memref_slice %arg3[%dma_start3A_13, %dma_start3A_14] : memref<1000000x128xf32, #tpu.memory_space<hbm>> -> memref<1000000x128xf32, #tpu.memory_space<hbm>>
    tpu.enqueue_indirect_dma source(%dma_start3A_15 : memref<1000000x128xf32, #tpu.memory_space<hbm>>) target(%arg7 : memref<50x128xf32, #tpu.memory_space<vmem>>) offsets(%dma_start3A_12 : memref<50xi32, #tpu.memory_space<vmem>>) semaphore(%arg15 : memref<!tpu.dma_semaphore, #tpu.memory_space<semaphore_mem>>)
    %dma_start3A_16 = arith.constant 2 : i32
    %dma_start3A_17 = arith.constant 0 : i32
    %dma_start3A_18 = tpu.memref_slice %arg5[%dma_start3A_16, %dma_start3A_17] : memref<512x50xi32, #tpu.memory_space<vmem>> -> memref<1x50xi32, #tpu.memory_space<vmem>>
    %dma_start3A_19 = tpu.memref_squeeze %dma_start3A_18 : memref<1x50xi32, #tpu.memory_space<vmem>> -> memref<50xi32, #tpu.memory_space<vmem>>
    %dma_start3A_20 = arith.constant 0 : i32
    %dma_start3A_21 = arith.constant 0 : i32
    %dma_start3A_22 = tpu.memref_slice %arg3[%dma_start3A_20, %dma_start3A_21] : memref<1000000x128xf32, #tpu.memory_space<hbm>> -> memref<1000000x128xf32, #tpu.memory_space<hbm>>
    tpu.enqueue_indirect_dma source(%dma_start3A_22 : memref<1000000x128xf32, #tpu.memory_space<hbm>>) target(%arg8 : memref<50x128xf32, #tpu.memory_space<vmem>>) offsets(%dma_start3A_19 : memref<50xi32, #tpu.memory_space<vmem>>) semaphore(%arg16 : memref<!tpu.dma_semaphore, #tpu.memory_space<semaphore_mem>>)
    %dma_start3A_23 = arith.constant 3 : i32
    %dma_start3A_24 = arith.constant 0 : i32
    %dma_start3A_25 = tpu.memref_slice %arg5[%dma_start3A_23, %dma_start3A_24] : memref<512x50xi32, #tpu.memory_space<vmem>> -> memref<1x50xi32, #tpu.memory_space<vmem>>
    %dma_start3A_26 = tpu.memref_squeeze %dma_start3A_25 : memref<1x50xi32, #tpu.memory_space<vmem>> -> memref<50xi32, #tpu.memory_space<vmem>>
    %dma_start3A_27 = arith.constant 0 : i32
    %dma_start3A_28 = arith.constant 0 : i32
    %dma_start3A_29 = tpu.memref_slice %arg3[%dma_start3A_27, %dma_start3A_28] : memref<1000000x128xf32, #tpu.memory_space<hbm>> -> memref<1000000x128xf32, #tpu.memory_space<hbm>>
    tpu.enqueue_indirect_dma source(%dma_start3A_29 : memref<1000000x128xf32, #tpu.memory_space<hbm>>) target(%arg9 : memref<50x128xf32, #tpu.memory_space<vmem>>) offsets(%dma_start3A_26 : memref<50xi32, #tpu.memory_space<vmem>>) semaphore(%arg17 : memref<!tpu.dma_semaphore, #tpu.memory_space<semaphore_mem>>)
    %dma_start3A_30 = arith.constant 4 : i32
    %dma_start3A_31 = arith.constant 0 : i32
    %dma_start3A_32 = tpu.memref_slice %arg5[%dma_start3A_30, %dma_start3A_31] : memref<512x50xi32, #tpu.memory_space<vmem>> -> memref<1x50xi32, #tpu.memory_space<vmem>>
    %dma_start3A_33 = tpu.memref_squeeze %dma_start3A_32 : memref<1x50xi32, #tpu.memory_space<vmem>> -> memref<50xi32, #tpu.memory_space<vmem>>
    %dma_start3A_34 = arith.constant 0 : i32
    %dma_start3A_35 = arith.constant 0 : i32
    %dma_start3A_36 = tpu.memref_slice %arg3[%dma_start3A_34, %dma_start3A_35] : memref<1000000x128xf32, #tpu.memory_space<hbm>> -> memref<1000000x128xf32, #tpu.memory_space<hbm>>
    tpu.enqueue_indirect_dma source(%dma_start3A_36 : memref<1000000x128xf32, #tpu.memory_space<hbm>>) target(%arg10 : memref<50x128xf32, #tpu.memory_space<vmem>>) offsets(%dma_start3A_33 : memref<50xi32, #tpu.memory_space<vmem>>) semaphore(%arg18 : memref<!tpu.dma_semaphore, #tpu.memory_space<semaphore_mem>>)
    %dma_start3A_37 = arith.constant 5 : i32
    %dma_start3A_38 = arith.constant 0 : i32
    %dma_start3A_39 = tpu.memref_slice %arg5[%dma_start3A_37, %dma_start3A_38] : memref<512x50xi32, #tpu.memory_space<vmem>> -> memref<1x50xi32, #tpu.memory_space<vmem>>
    %dma_start3A_40 = tpu.memref_squeeze %dma_start3A_39 : memref<1x50xi32, #tpu.memory_space<vmem>> -> memref<50xi32, #tpu.memory_space<vmem>>
    %dma_start3A_41 = arith.constant 0 : i32
    %dma_start3A_42 = arith.constant 0 : i32
    %dma_start3A_43 = tpu.memref_slice %arg3[%dma_start3A_41, %dma_start3A_42] : memref<1000000x128xf32, #tpu.memory_space<hbm>> -> memref<1000000x128xf32, #tpu.memory_space<hbm>>
    tpu.enqueue_indirect_dma source(%dma_start3A_43 : memref<1000000x128xf32, #tpu.memory_space<hbm>>) target(%arg11 : memref<50x128xf32, #tpu.memory_space<vmem>>) offsets(%dma_start3A_40 : memref<50xi32, #tpu.memory_space<vmem>>) semaphore(%arg19 : memref<!tpu.dma_semaphore, #tpu.memory_space<semaphore_mem>>)
    %dma_start3A_44 = arith.constant 6 : i32
    %dma_start3A_45 = arith.constant 0 : i32
    %dma_start3A_46 = tpu.memref_slice %arg5[%dma_start3A_44, %dma_start3A_45] : memref<512x50xi32, #tpu.memory_space<vmem>> -> memref<1x50xi32, #tpu.memory_space<vmem>>
    %dma_start3A_47 = tpu.memref_squeeze %dma_start3A_46 : memref<1x50xi32, #tpu.memory_space<vmem>> -> memref<50xi32, #tpu.memory_space<vmem>>
    %dma_start3A_48 = arith.constant 0 : i32
    %dma_start3A_49 = arith.constant 0 : i32
    %dma_start3A_50 = tpu.memref_slice %arg3[%dma_start3A_48, %dma_start3A_49] : memref<1000000x128xf32, #tpu.memory_space<hbm>> -> memref<1000000x128xf32, #tpu.memory_space<hbm>>
    tpu.enqueue_indirect_dma source(%dma_start3A_50 : memref<1000000x128xf32, #tpu.memory_space<hbm>>) target(%arg12 : memref<50x128xf32, #tpu.memory_space<vmem>>) offsets(%dma_start3A_47 : memref<50xi32, #tpu.memory_space<vmem>>) semaphore(%arg20 : memref<!tpu.dma_semaphore, #tpu.memory_space<semaphore_mem>>)
    %dma_start3A_51 = arith.constant 7 : i32
    %dma_start3A_52 = arith.constant 0 : i32
    %dma_start3A_53 = tpu.memref_slice %arg5[%dma_start3A_51, %dma_start3A_52] : memref<512x50xi32, #tpu.memory_space<vmem>> -> memref<1x50xi32, #tpu.memory_space<vmem>>
    %dma_start3A_54 = tpu.memref_squeeze %dma_start3A_53 : memref<1x50xi32, #tpu.memory_space<vmem>> -> memref<50xi32, #tpu.memory_space<vmem>>
    %dma_start3A_55 = arith.constant 0 : i32
    %dma_start3A_56 = arith.constant 0 : i32
    %dma_start3A_57 = tpu.memref_slice %arg3[%dma_start3A_55, %dma_start3A_56] : memref<1000000x128xf32, #tpu.memory_space<hbm>> -> memref<1000000x128xf32, #tpu.memory_space<hbm>>
    tpu.enqueue_indirect_dma source(%dma_start3A_57 : memref<1000000x128xf32, #tpu.memory_space<hbm>>) target(%arg13 : memref<50x128xf32, #tpu.memory_space<vmem>>) offsets(%dma_start3A_54 : memref<50xi32, #tpu.memory_space<vmem>>) semaphore(%arg21 : memref<!tpu.dma_semaphore, #tpu.memory_space<semaphore_mem>>)
    %scan3A = arith.constant 0 : i32
    %scan3A_58 = arith.constant 64 : i32
    %scan3A_59 = arith.addi %scan3A, %scan3A_58 : i32
    %scan3A_60 = arith.constant 1 : i32
    scf.for %scan3A_141 = %scan3A to %scan3A_59 step %scan3A_60  : i32 {
      %mul3A_142 = arith.constant 8 : i32
      %mul3A_143 = arith.muli %scan3A_141, %mul3A_142 : i32
      %add3A_144 = arith.constant 0 : i32
      %add3A_145 = arith.addi %add3A_144, %mul3A_143 : i32
      %add3A_146 = arith.constant 0 : i32
      %add3A_147 = arith.addi %add3A_145, %add3A_146 : i32
      %dma_wait3A_148 = arith.constant 0 : i32
      %dma_wait3A_149 = tpu.memref_slice %arg5[%add3A_147, %dma_wait3A_148] : memref<512x50xi32, #tpu.memory_space<vmem>> -> memref<1x50xi32, #tpu.memory_space<vmem>>
      %dma_wait3A_150 = tpu.memref_squeeze %dma_wait3A_149 : memref<1x50xi32, #tpu.memory_space<vmem>> -> memref<50xi32, #tpu.memory_space<vmem>>
      %dma_wait3A_151 = arith.constant 0 : i32
      %dma_wait3A_152 = arith.constant 0 : i32
      %dma_wait3A_153 = tpu.memref_slice %arg3[%dma_wait3A_151, %dma_wait3A_152] : memref<1000000x128xf32, #tpu.memory_space<hbm>> -> memref<1000000x128xf32, #tpu.memory_space<hbm>>
      tpu.wait_indirect_dma semaphore(%arg14 : memref<!tpu.dma_semaphore, #tpu.memory_space<semaphore_mem>>) src(%dma_wait3A_153 : memref<1000000x128xf32, #tpu.memory_space<hbm>>) dst(%arg6 : memref<50x128xf32, #tpu.memory_space<vmem>>)
      %add3A_154 = arith.addi %mul3A_2, %add3A_147 : i32
      %dma_start3A_155 = arith.constant 0 : i32
      %dma_start3A_156 = arith.constant 0 : i32
      %dma_start3A_157 = tpu.memref_slice %arg4[%add3A_154, %dma_start3A_155, %dma_start3A_156] : memref<16384x50x128xf32, #tpu.memory_space<hbm>> -> memref<1x50x128xf32, #tpu.memory_space<hbm>>
      %dma_start3A_158 = tpu.memref_squeeze %dma_start3A_157 : memref<1x50x128xf32, #tpu.memory_space<hbm>> -> memref<50x128xf32, #tpu.memory_space<hbm>>
      %dma_start3A_159 = arith.constant 0 : i32
      %dma_start3A_160 = arith.constant 0 : i32
      %dma_start3A_161 = tpu.memref_slice %arg4[%add3A_154, %dma_start3A_159, %dma_start3A_160] : memref<16384x50x128xf32, #tpu.memory_space<hbm>> -> memref<1x50x128xf32, #tpu.memory_space<hbm>>
      %dma_start3A_162 = tpu.memref_squeeze %dma_start3A_161 : memref<1x50x128xf32, #tpu.memory_space<hbm>> -> memref<50x128xf32, #tpu.memory_space<hbm>>
      tpu.enqueue_dma source(%arg6 : memref<50x128xf32, #tpu.memory_space<vmem>>) target(%dma_start3A_162 : memref<50x128xf32, #tpu.memory_space<hbm>>) target_semaphore(%arg22 : memref<!tpu.dma_semaphore, #tpu.memory_space<semaphore_mem>>)
      %add3A_163 = arith.constant 8 : i32
      %add3A_164 = arith.addi %add3A_147, %add3A_163 : i32
      %lt3A = arith.constant 512 : i32
      %lt3A_165 = arith.cmpi slt, %add3A_164, %lt3A : i32
      %convert_element_type3A = arith.extui %lt3A_165 : i1 to i32
      %cond3A = arith.constant 0 : i32
      %cond3A_166 = arith.cmpi ne, %convert_element_type3A, %cond3A : i32
      scf.if %cond3A_166 {
        %add3A_335 = arith.addi %mul3A_2, %add3A_147 : i32
        %dma_wait3A_336 = arith.constant 0 : i32
        %dma_wait3A_337 = arith.constant 0 : i32
        %dma_wait3A_338 = tpu.memref_slice %arg4[%add3A_335, %dma_wait3A_336, %dma_wait3A_337] : memref<16384x50x128xf32, #tpu.memory_space<hbm>> -> memref<1x50x128xf32, #tpu.memory_space<hbm>>
        %dma_wait3A_339 = tpu.memref_squeeze %dma_wait3A_338 : memref<1x50x128xf32, #tpu.memory_space<hbm>> -> memref<50x128xf32, #tpu.memory_space<hbm>>
        %dma_wait3A_340 = arith.constant 0 : i32
        %dma_wait3A_341 = arith.constant 0 : i32
        %dma_wait3A_342 = tpu.memref_slice %arg4[%add3A_335, %dma_wait3A_340, %dma_wait3A_341] : memref<16384x50x128xf32, #tpu.memory_space<hbm>> -> memref<1x50x128xf32, #tpu.memory_space<hbm>>
        %dma_wait3A_343 = tpu.memref_squeeze %dma_wait3A_342 : memref<1x50x128xf32, #tpu.memory_space<hbm>> -> memref<50x128xf32, #tpu.memory_space<hbm>>
        tpu.wait_dma2 semaphore(%arg22 : memref<!tpu.dma_semaphore, #tpu.memory_space<semaphore_mem>>) src(%arg6 : memref<50x128xf32, #tpu.memory_space<vmem>>) dst(%dma_wait3A_343 : memref<50x128xf32, #tpu.memory_space<hbm>>)
        %dma_start3A_344 = arith.constant 0 : i32
        %dma_start3A_345 = tpu.memref_slice %arg5[%add3A_164, %dma_start3A_344] : memref<512x50xi32, #tpu.memory_space<vmem>> -> memref<1x50xi32, #tpu.memory_space<vmem>>
        %dma_start3A_346 = tpu.memref_squeeze %dma_start3A_345 : memref<1x50xi32, #tpu.memory_space<vmem>> -> memref<50xi32, #tpu.memory_space<vmem>>
        %dma_start3A_347 = arith.constant 0 : i32
        %dma_start3A_348 = arith.constant 0 : i32
        %dma_start3A_349 = tpu.memref_slice %arg3[%dma_start3A_347, %dma_start3A_348] : memref<1000000x128xf32, #tpu.memory_space<hbm>> -> memref<1000000x128xf32, #tpu.memory_space<hbm>>
        tpu.enqueue_indirect_dma source(%dma_start3A_349 : memref<1000000x128xf32, #tpu.memory_space<hbm>>) target(%arg6 : memref<50x128xf32, #tpu.memory_space<vmem>>) offsets(%dma_start3A_346 : memref<50xi32, #tpu.memory_space<vmem>>) semaphore(%arg14 : memref<!tpu.dma_semaphore, #tpu.memory_space<semaphore_mem>>)
      } else {
      }
      %add3A_167 = arith.constant 1 : i32
      %add3A_168 = arith.addi %add3A_145, %add3A_167 : i32
      %dma_wait3A_169 = arith.constant 0 : i32
      %dma_wait3A_170 = tpu.memref_slice %arg5[%add3A_168, %dma_wait3A_169] : memref<512x50xi32, #tpu.memory_space<vmem>> -> memref<1x50xi32, #tpu.memory_space<vmem>>
      %dma_wait3A_171 = tpu.memref_squeeze %dma_wait3A_170 : memref<1x50xi32, #tpu.memory_space<vmem>> -> memref<50xi32, #tpu.memory_space<vmem>>
      %dma_wait3A_172 = arith.constant 0 : i32
      %dma_wait3A_173 = arith.constant 0 : i32
      %dma_wait3A_174 = tpu.memref_slice %arg3[%dma_wait3A_172, %dma_wait3A_173] : memref<1000000x128xf32, #tpu.memory_space<hbm>> -> memref<1000000x128xf32, #tpu.memory_space<hbm>>
      tpu.wait_indirect_dma semaphore(%arg15 : memref<!tpu.dma_semaphore, #tpu.memory_space<semaphore_mem>>) src(%dma_wait3A_174 : memref<1000000x128xf32, #tpu.memory_space<hbm>>) dst(%arg7 : memref<50x128xf32, #tpu.memory_space<vmem>>)
      %add3A_175 = arith.addi %mul3A_2, %add3A_168 : i32
      %dma_start3A_176 = arith.constant 0 : i32
      %dma_start3A_177 = arith.constant 0 : i32
      %dma_start3A_178 = tpu.memref_slice %arg4[%add3A_175, %dma_start3A_176, %dma_start3A_177] : memref<16384x50x128xf32, #tpu.memory_space<hbm>> -> memref<1x50x128xf32, #tpu.memory_space<hbm>>
      %dma_start3A_179 = tpu.memref_squeeze %dma_start3A_178 : memref<1x50x128xf32, #tpu.memory_space<hbm>> -> memref<50x128xf32, #tpu.memory_space<hbm>>
      %dma_start3A_180 = arith.constant 0 : i32
      %dma_start3A_181 = arith.constant 0 : i32
      %dma_start3A_182 = tpu.memref_slice %arg4[%add3A_175, %dma_start3A_180, %dma_start3A_181] : memref<16384x50x128xf32, #tpu.memory_space<hbm>> -> memref<1x50x128xf32, #tpu.memory_space<hbm>>
      %dma_start3A_183 = tpu.memref_squeeze %dma_start3A_182 : memref<1x50x128xf32, #tpu.memory_space<hbm>> -> memref<50x128xf32, #tpu.memory_space<hbm>>
      tpu.enqueue_dma source(%arg7 : memref<50x128xf32, #tpu.memory_space<vmem>>) target(%dma_start3A_183 : memref<50x128xf32, #tpu.memory_space<hbm>>) target_semaphore(%arg23 : memref<!tpu.dma_semaphore, #tpu.memory_space<semaphore_mem>>)
      %add3A_184 = arith.constant 8 : i32
      %add3A_185 = arith.addi %add3A_168, %add3A_184 : i32
      %lt3A_186 = arith.constant 512 : i32
      %lt3A_187 = arith.cmpi slt, %add3A_185, %lt3A_186 : i32
      %convert_element_type3A_188 = arith.extui %lt3A_187 : i1 to i32
      %cond3A_189 = arith.constant 0 : i32
      %cond3A_190 = arith.cmpi ne, %convert_element_type3A_188, %cond3A_189 : i32
      scf.if %cond3A_190 {
        %add3A_335 = arith.addi %mul3A_2, %add3A_168 : i32
        %dma_wait3A_336 = arith.constant 0 : i32
        %dma_wait3A_337 = arith.constant 0 : i32
        %dma_wait3A_338 = tpu.memref_slice %arg4[%add3A_335, %dma_wait3A_336, %dma_wait3A_337] : memref<16384x50x128xf32, #tpu.memory_space<hbm>> -> memref<1x50x128xf32, #tpu.memory_space<hbm>>
        %dma_wait3A_339 = tpu.memref_squeeze %dma_wait3A_338 : memref<1x50x128xf32, #tpu.memory_space<hbm>> -> memref<50x128xf32, #tpu.memory_space<hbm>>
        %dma_wait3A_340 = arith.constant 0 : i32
        %dma_wait3A_341 = arith.constant 0 : i32
        %dma_wait3A_342 = tpu.memref_slice %arg4[%add3A_335, %dma_wait3A_340, %dma_wait3A_341] : memref<16384x50x128xf32, #tpu.memory_space<hbm>> -> memref<1x50x128xf32, #tpu.memory_space<hbm>>
        %dma_wait3A_343 = tpu.memref_squeeze %dma_wait3A_342 : memref<1x50x128xf32, #tpu.memory_space<hbm>> -> memref<50x128xf32, #tpu.memory_space<hbm>>
        tpu.wait_dma2 semaphore(%arg23 : memref<!tpu.dma_semaphore, #tpu.memory_space<semaphore_mem>>) src(%arg7 : memref<50x128xf32, #tpu.memory_space<vmem>>) dst(%dma_wait3A_343 : memref<50x128xf32, #tpu.memory_space<hbm>>)
        %dma_start3A_344 = arith.constant 0 : i32
        %dma_start3A_345 = tpu.memref_slice %arg5[%add3A_185, %dma_start3A_344] : memref<512x50xi32, #tpu.memory_space<vmem>> -> memref<1x50xi32, #tpu.memory_space<vmem>>
        %dma_start3A_346 = tpu.memref_squeeze %dma_start3A_345 : memref<1x50xi32, #tpu.memory_space<vmem>> -> memref<50xi32, #tpu.memory_space<vmem>>
        %dma_start3A_347 = arith.constant 0 : i32
        %dma_start3A_348 = arith.constant 0 : i32
        %dma_start3A_349 = tpu.memref_slice %arg3[%dma_start3A_347, %dma_start3A_348] : memref<1000000x128xf32, #tpu.memory_space<hbm>> -> memref<1000000x128xf32, #tpu.memory_space<hbm>>
        tpu.enqueue_indirect_dma source(%dma_start3A_349 : memref<1000000x128xf32, #tpu.memory_space<hbm>>) target(%arg7 : memref<50x128xf32, #tpu.memory_space<vmem>>) offsets(%dma_start3A_346 : memref<50xi32, #tpu.memory_space<vmem>>) semaphore(%arg15 : memref<!tpu.dma_semaphore, #tpu.memory_space<semaphore_mem>>)
      } else {
      }
      %add3A_191 = arith.constant 2 : i32
      %add3A_192 = arith.addi %add3A_145, %add3A_191 : i32
      %dma_wait3A_193 = arith.constant 0 : i32
      %dma_wait3A_194 = tpu.memref_slice %arg5[%add3A_192, %dma_wait3A_193] : memref<512x50xi32, #tpu.memory_space<vmem>> -> memref<1x50xi32, #tpu.memory_space<vmem>>
      %dma_wait3A_195 = tpu.memref_squeeze %dma_wait3A_194 : memref<1x50xi32, #tpu.memory_space<vmem>> -> memref<50xi32, #tpu.memory_space<vmem>>
      %dma_wait3A_196 = arith.constant 0 : i32
      %dma_wait3A_197 = arith.constant 0 : i32
      %dma_wait3A_198 = tpu.memref_slice %arg3[%dma_wait3A_196, %dma_wait3A_197] : memref<1000000x128xf32, #tpu.memory_space<hbm>> -> memref<1000000x128xf32, #tpu.memory_space<hbm>>
      tpu.wait_indirect_dma semaphore(%arg16 : memref<!tpu.dma_semaphore, #tpu.memory_space<semaphore_mem>>) src(%dma_wait3A_198 : memref<1000000x128xf32, #tpu.memory_space<hbm>>) dst(%arg8 : memref<50x128xf32, #tpu.memory_space<vmem>>)
      %add3A_199 = arith.addi %mul3A_2, %add3A_192 : i32
      %dma_start3A_200 = arith.constant 0 : i32
      %dma_start3A_201 = arith.constant 0 : i32
      %dma_start3A_202 = tpu.memref_slice %arg4[%add3A_199, %dma_start3A_200, %dma_start3A_201] : memref<16384x50x128xf32, #tpu.memory_space<hbm>> -> memref<1x50x128xf32, #tpu.memory_space<hbm>>
      %dma_start3A_203 = tpu.memref_squeeze %dma_start3A_202 : memref<1x50x128xf32, #tpu.memory_space<hbm>> -> memref<50x128xf32, #tpu.memory_space<hbm>>
      %dma_start3A_204 = arith.constant 0 : i32
      %dma_start3A_205 = arith.constant 0 : i32
      %dma_start3A_206 = tpu.memref_slice %arg4[%add3A_199, %dma_start3A_204, %dma_start3A_205] : memref<16384x50x128xf32, #tpu.memory_space<hbm>> -> memref<1x50x128xf32, #tpu.memory_space<hbm>>
      %dma_start3A_207 = tpu.memref_squeeze %dma_start3A_206 : memref<1x50x128xf32, #tpu.memory_space<hbm>> -> memref<50x128xf32, #tpu.memory_space<hbm>>
      tpu.enqueue_dma source(%arg8 : memref<50x128xf32, #tpu.memory_space<vmem>>) target(%dma_start3A_207 : memref<50x128xf32, #tpu.memory_space<hbm>>) target_semaphore(%arg24 : memref<!tpu.dma_semaphore, #tpu.memory_space<semaphore_mem>>)
      %add3A_208 = arith.constant 8 : i32
      %add3A_209 = arith.addi %add3A_192, %add3A_208 : i32
      %lt3A_210 = arith.constant 512 : i32
      %lt3A_211 = arith.cmpi slt, %add3A_209, %lt3A_210 : i32
      %convert_element_type3A_212 = arith.extui %lt3A_211 : i1 to i32
      %cond3A_213 = arith.constant 0 : i32
      %cond3A_214 = arith.cmpi ne, %convert_element_type3A_212, %cond3A_213 : i32
      scf.if %cond3A_214 {
        %add3A_335 = arith.addi %mul3A_2, %add3A_192 : i32
        %dma_wait3A_336 = arith.constant 0 : i32
        %dma_wait3A_337 = arith.constant 0 : i32
        %dma_wait3A_338 = tpu.memref_slice %arg4[%add3A_335, %dma_wait3A_336, %dma_wait3A_337] : memref<16384x50x128xf32, #tpu.memory_space<hbm>> -> memref<1x50x128xf32, #tpu.memory_space<hbm>>
        %dma_wait3A_339 = tpu.memref_squeeze %dma_wait3A_338 : memref<1x50x128xf32, #tpu.memory_space<hbm>> -> memref<50x128xf32, #tpu.memory_space<hbm>>
        %dma_wait3A_340 = arith.constant 0 : i32
        %dma_wait3A_341 = arith.constant 0 : i32
        %dma_wait3A_342 = tpu.memref_slice %arg4[%add3A_335, %dma_wait3A_340, %dma_wait3A_341] : memref<16384x50x128xf32, #tpu.memory_space<hbm>> -> memref<1x50x128xf32, #tpu.memory_space<hbm>>
        %dma_wait3A_343 = tpu.memref_squeeze %dma_wait3A_342 : memref<1x50x128xf32, #tpu.memory_space<hbm>> -> memref<50x128xf32, #tpu.memory_space<hbm>>
        tpu.wait_dma2 semaphore(%arg24 : memref<!tpu.dma_semaphore, #tpu.memory_space<semaphore_mem>>) src(%arg8 : memref<50x128xf32, #tpu.memory_space<vmem>>) dst(%dma_wait3A_343 : memref<50x128xf32, #tpu.memory_space<hbm>>)
        %dma_start3A_344 = arith.constant 0 : i32
        %dma_start3A_345 = tpu.memref_slice %arg5[%add3A_209, %dma_start3A_344] : memref<512x50xi32, #tpu.memory_space<vmem>> -> memref<1x50xi32, #tpu.memory_space<vmem>>
        %dma_start3A_346 = tpu.memref_squeeze %dma_start3A_345 : memref<1x50xi32, #tpu.memory_space<vmem>> -> memref<50xi32, #tpu.memory_space<vmem>>
        %dma_start3A_347 = arith.constant 0 : i32
        %dma_start3A_348 = arith.constant 0 : i32
        %dma_start3A_349 = tpu.memref_slice %arg3[%dma_start3A_347, %dma_start3A_348] : memref<1000000x128xf32, #tpu.memory_space<hbm>> -> memref<1000000x128xf32, #tpu.memory_space<hbm>>
        tpu.enqueue_indirect_dma source(%dma_start3A_349 : memref<1000000x128xf32, #tpu.memory_space<hbm>>) target(%arg8 : memref<50x128xf32, #tpu.memory_space<vmem>>) offsets(%dma_start3A_346 : memref<50xi32, #tpu.memory_space<vmem>>) semaphore(%arg16 : memref<!tpu.dma_semaphore, #tpu.memory_space<semaphore_mem>>)
      } else {
      }
      %add3A_215 = arith.constant 3 : i32
      %add3A_216 = arith.addi %add3A_145, %add3A_215 : i32
      %dma_wait3A_217 = arith.constant 0 : i32
      %dma_wait3A_218 = tpu.memref_slice %arg5[%add3A_216, %dma_wait3A_217] : memref<512x50xi32, #tpu.memory_space<vmem>> -> memref<1x50xi32, #tpu.memory_space<vmem>>
      %dma_wait3A_219 = tpu.memref_squeeze %dma_wait3A_218 : memref<1x50xi32, #tpu.memory_space<vmem>> -> memref<50xi32, #tpu.memory_space<vmem>>
      %dma_wait3A_220 = arith.constant 0 : i32
      %dma_wait3A_221 = arith.constant 0 : i32
      %dma_wait3A_222 = tpu.memref_slice %arg3[%dma_wait3A_220, %dma_wait3A_221] : memref<1000000x128xf32, #tpu.memory_space<hbm>> -> memref<1000000x128xf32, #tpu.memory_space<hbm>>
      tpu.wait_indirect_dma semaphore(%arg17 : memref<!tpu.dma_semaphore, #tpu.memory_space<semaphore_mem>>) src(%dma_wait3A_222 : memref<1000000x128xf32, #tpu.memory_space<hbm>>) dst(%arg9 : memref<50x128xf32, #tpu.memory_space<vmem>>)
      %add3A_223 = arith.addi %mul3A_2, %add3A_216 : i32
      %dma_start3A_224 = arith.constant 0 : i32
      %dma_start3A_225 = arith.constant 0 : i32
      %dma_start3A_226 = tpu.memref_slice %arg4[%add3A_223, %dma_start3A_224, %dma_start3A_225] : memref<16384x50x128xf32, #tpu.memory_space<hbm>> -> memref<1x50x128xf32, #tpu.memory_space<hbm>>
      %dma_start3A_227 = tpu.memref_squeeze %dma_start3A_226 : memref<1x50x128xf32, #tpu.memory_space<hbm>> -> memref<50x128xf32, #tpu.memory_space<hbm>>
      %dma_start3A_228 = arith.constant 0 : i32
      %dma_start3A_229 = arith.constant 0 : i32
      %dma_start3A_230 = tpu.memref_slice %arg4[%add3A_223, %dma_start3A_228, %dma_start3A_229] : memref<16384x50x128xf32, #tpu.memory_space<hbm>> -> memref<1x50x128xf32, #tpu.memory_space<hbm>>
      %dma_start3A_231 = tpu.memref_squeeze %dma_start3A_230 : memref<1x50x128xf32, #tpu.memory_space<hbm>> -> memref<50x128xf32, #tpu.memory_space<hbm>>
      tpu.enqueue_dma source(%arg9 : memref<50x128xf32, #tpu.memory_space<vmem>>) target(%dma_start3A_231 : memref<50x128xf32, #tpu.memory_space<hbm>>) target_semaphore(%arg25 : memref<!tpu.dma_semaphore, #tpu.memory_space<semaphore_mem>>)
      %add3A_232 = arith.constant 8 : i32
      %add3A_233 = arith.addi %add3A_216, %add3A_232 : i32
      %lt3A_234 = arith.constant 512 : i32
      %lt3A_235 = arith.cmpi slt, %add3A_233, %lt3A_234 : i32
      %convert_element_type3A_236 = arith.extui %lt3A_235 : i1 to i32
      %cond3A_237 = arith.constant 0 : i32
      %cond3A_238 = arith.cmpi ne, %convert_element_type3A_236, %cond3A_237 : i32
      scf.if %cond3A_238 {
        %add3A_335 = arith.addi %mul3A_2, %add3A_216 : i32
        %dma_wait3A_336 = arith.constant 0 : i32
        %dma_wait3A_337 = arith.constant 0 : i32
        %dma_wait3A_338 = tpu.memref_slice %arg4[%add3A_335, %dma_wait3A_336, %dma_wait3A_337] : memref<16384x50x128xf32, #tpu.memory_space<hbm>> -> memref<1x50x128xf32, #tpu.memory_space<hbm>>
        %dma_wait3A_339 = tpu.memref_squeeze %dma_wait3A_338 : memref<1x50x128xf32, #tpu.memory_space<hbm>> -> memref<50x128xf32, #tpu.memory_space<hbm>>
        %dma_wait3A_340 = arith.constant 0 : i32
        %dma_wait3A_341 = arith.constant 0 : i32
        %dma_wait3A_342 = tpu.memref_slice %arg4[%add3A_335, %dma_wait3A_340, %dma_wait3A_341] : memref<16384x50x128xf32, #tpu.memory_space<hbm>> -> memref<1x50x128xf32, #tpu.memory_space<hbm>>
        %dma_wait3A_343 = tpu.memref_squeeze %dma_wait3A_342 : memref<1x50x128xf32, #tpu.memory_space<hbm>> -> memref<50x128xf32, #tpu.memory_space<hbm>>
        tpu.wait_dma2 semaphore(%arg25 : memref<!tpu.dma_semaphore, #tpu.memory_space<semaphore_mem>>) src(%arg9 : memref<50x128xf32, #tpu.memory_space<vmem>>) dst(%dma_wait3A_343 : memref<50x128xf32, #tpu.memory_space<hbm>>)
        %dma_start3A_344 = arith.constant 0 : i32
        %dma_start3A_345 = tpu.memref_slice %arg5[%add3A_233, %dma_start3A_344] : memref<512x50xi32, #tpu.memory_space<vmem>> -> memref<1x50xi32, #tpu.memory_space<vmem>>
        %dma_start3A_346 = tpu.memref_squeeze %dma_start3A_345 : memref<1x50xi32, #tpu.memory_space<vmem>> -> memref<50xi32, #tpu.memory_space<vmem>>
        %dma_start3A_347 = arith.constant 0 : i32
        %dma_start3A_348 = arith.constant 0 : i32
        %dma_start3A_349 = tpu.memref_slice %arg3[%dma_start3A_347, %dma_start3A_348] : memref<1000000x128xf32, #tpu.memory_space<hbm>> -> memref<1000000x128xf32, #tpu.memory_space<hbm>>
        tpu.enqueue_indirect_dma source(%dma_start3A_349 : memref<1000000x128xf32, #tpu.memory_space<hbm>>) target(%arg9 : memref<50x128xf32, #tpu.memory_space<vmem>>) offsets(%dma_start3A_346 : memref<50xi32, #tpu.memory_space<vmem>>) semaphore(%arg17 : memref<!tpu.dma_semaphore, #tpu.memory_space<semaphore_mem>>)
      } else {
      }
      %add3A_239 = arith.constant 4 : i32
      %add3A_240 = arith.addi %add3A_145, %add3A_239 : i32
      %dma_wait3A_241 = arith.constant 0 : i32
      %dma_wait3A_242 = tpu.memref_slice %arg5[%add3A_240, %dma_wait3A_241] : memref<512x50xi32, #tpu.memory_space<vmem>> -> memref<1x50xi32, #tpu.memory_space<vmem>>
      %dma_wait3A_243 = tpu.memref_squeeze %dma_wait3A_242 : memref<1x50xi32, #tpu.memory_space<vmem>> -> memref<50xi32, #tpu.memory_space<vmem>>
      %dma_wait3A_244 = arith.constant 0 : i32
      %dma_wait3A_245 = arith.constant 0 : i32
      %dma_wait3A_246 = tpu.memref_slice %arg3[%dma_wait3A_244, %dma_wait3A_245] : memref<1000000x128xf32, #tpu.memory_space<hbm>> -> memref<1000000x128xf32, #tpu.memory_space<hbm>>
      tpu.wait_indirect_dma semaphore(%arg18 : memref<!tpu.dma_semaphore, #tpu.memory_space<semaphore_mem>>) src(%dma_wait3A_246 : memref<1000000x128xf32, #tpu.memory_space<hbm>>) dst(%arg10 : memref<50x128xf32, #tpu.memory_space<vmem>>)
      %add3A_247 = arith.addi %mul3A_2, %add3A_240 : i32
      %dma_start3A_248 = arith.constant 0 : i32
      %dma_start3A_249 = arith.constant 0 : i32
      %dma_start3A_250 = tpu.memref_slice %arg4[%add3A_247, %dma_start3A_248, %dma_start3A_249] : memref<16384x50x128xf32, #tpu.memory_space<hbm>> -> memref<1x50x128xf32, #tpu.memory_space<hbm>>
      %dma_start3A_251 = tpu.memref_squeeze %dma_start3A_250 : memref<1x50x128xf32, #tpu.memory_space<hbm>> -> memref<50x128xf32, #tpu.memory_space<hbm>>
      %dma_start3A_252 = arith.constant 0 : i32
      %dma_start3A_253 = arith.constant 0 : i32
      %dma_start3A_254 = tpu.memref_slice %arg4[%add3A_247, %dma_start3A_252, %dma_start3A_253] : memref<16384x50x128xf32, #tpu.memory_space<hbm>> -> memref<1x50x128xf32, #tpu.memory_space<hbm>>
      %dma_start3A_255 = tpu.memref_squeeze %dma_start3A_254 : memref<1x50x128xf32, #tpu.memory_space<hbm>> -> memref<50x128xf32, #tpu.memory_space<hbm>>
      tpu.enqueue_dma source(%arg10 : memref<50x128xf32, #tpu.memory_space<vmem>>) target(%dma_start3A_255 : memref<50x128xf32, #tpu.memory_space<hbm>>) target_semaphore(%arg26 : memref<!tpu.dma_semaphore, #tpu.memory_space<semaphore_mem>>)
      %add3A_256 = arith.constant 8 : i32
      %add3A_257 = arith.addi %add3A_240, %add3A_256 : i32
      %lt3A_258 = arith.constant 512 : i32
      %lt3A_259 = arith.cmpi slt, %add3A_257, %lt3A_258 : i32
      %convert_element_type3A_260 = arith.extui %lt3A_259 : i1 to i32
      %cond3A_261 = arith.constant 0 : i32
      %cond3A_262 = arith.cmpi ne, %convert_element_type3A_260, %cond3A_261 : i32
      scf.if %cond3A_262 {
        %add3A_335 = arith.addi %mul3A_2, %add3A_240 : i32
        %dma_wait3A_336 = arith.constant 0 : i32
        %dma_wait3A_337 = arith.constant 0 : i32
        %dma_wait3A_338 = tpu.memref_slice %arg4[%add3A_335, %dma_wait3A_336, %dma_wait3A_337] : memref<16384x50x128xf32, #tpu.memory_space<hbm>> -> memref<1x50x128xf32, #tpu.memory_space<hbm>>
        %dma_wait3A_339 = tpu.memref_squeeze %dma_wait3A_338 : memref<1x50x128xf32, #tpu.memory_space<hbm>> -> memref<50x128xf32, #tpu.memory_space<hbm>>
        %dma_wait3A_340 = arith.constant 0 : i32
        %dma_wait3A_341 = arith.constant 0 : i32
        %dma_wait3A_342 = tpu.memref_slice %arg4[%add3A_335, %dma_wait3A_340, %dma_wait3A_341] : memref<16384x50x128xf32, #tpu.memory_space<hbm>> -> memref<1x50x128xf32, #tpu.memory_space<hbm>>
        %dma_wait3A_343 = tpu.memref_squeeze %dma_wait3A_342 : memref<1x50x128xf32, #tpu.memory_space<hbm>> -> memref<50x128xf32, #tpu.memory_space<hbm>>
        tpu.wait_dma2 semaphore(%arg26 : memref<!tpu.dma_semaphore, #tpu.memory_space<semaphore_mem>>) src(%arg10 : memref<50x128xf32, #tpu.memory_space<vmem>>) dst(%dma_wait3A_343 : memref<50x128xf32, #tpu.memory_space<hbm>>)
        %dma_start3A_344 = arith.constant 0 : i32
        %dma_start3A_345 = tpu.memref_slice %arg5[%add3A_257, %dma_start3A_344] : memref<512x50xi32, #tpu.memory_space<vmem>> -> memref<1x50xi32, #tpu.memory_space<vmem>>
        %dma_start3A_346 = tpu.memref_squeeze %dma_start3A_345 : memref<1x50xi32, #tpu.memory_space<vmem>> -> memref<50xi32, #tpu.memory_space<vmem>>
        %dma_start3A_347 = arith.constant 0 : i32
        %dma_start3A_348 = arith.constant 0 : i32
        %dma_start3A_349 = tpu.memref_slice %arg3[%dma_start3A_347, %dma_start3A_348] : memref<1000000x128xf32, #tpu.memory_space<hbm>> -> memref<1000000x128xf32, #tpu.memory_space<hbm>>
        tpu.enqueue_indirect_dma source(%dma_start3A_349 : memref<1000000x128xf32, #tpu.memory_space<hbm>>) target(%arg10 : memref<50x128xf32, #tpu.memory_space<vmem>>) offsets(%dma_start3A_346 : memref<50xi32, #tpu.memory_space<vmem>>) semaphore(%arg18 : memref<!tpu.dma_semaphore, #tpu.memory_space<semaphore_mem>>)
      } else {
      }
      %add3A_263 = arith.constant 5 : i32
      %add3A_264 = arith.addi %add3A_145, %add3A_263 : i32
      %dma_wait3A_265 = arith.constant 0 : i32
      %dma_wait3A_266 = tpu.memref_slice %arg5[%add3A_264, %dma_wait3A_265] : memref<512x50xi32, #tpu.memory_space<vmem>> -> memref<1x50xi32, #tpu.memory_space<vmem>>
      %dma_wait3A_267 = tpu.memref_squeeze %dma_wait3A_266 : memref<1x50xi32, #tpu.memory_space<vmem>> -> memref<50xi32, #tpu.memory_space<vmem>>
      %dma_wait3A_268 = arith.constant 0 : i32
      %dma_wait3A_269 = arith.constant 0 : i32
      %dma_wait3A_270 = tpu.memref_slice %arg3[%dma_wait3A_268, %dma_wait3A_269] : memref<1000000x128xf32, #tpu.memory_space<hbm>> -> memref<1000000x128xf32, #tpu.memory_space<hbm>>
      tpu.wait_indirect_dma semaphore(%arg19 : memref<!tpu.dma_semaphore, #tpu.memory_space<semaphore_mem>>) src(%dma_wait3A_270 : memref<1000000x128xf32, #tpu.memory_space<hbm>>) dst(%arg11 : memref<50x128xf32, #tpu.memory_space<vmem>>)
      %add3A_271 = arith.addi %mul3A_2, %add3A_264 : i32
      %dma_start3A_272 = arith.constant 0 : i32
      %dma_start3A_273 = arith.constant 0 : i32
      %dma_start3A_274 = tpu.memref_slice %arg4[%add3A_271, %dma_start3A_272, %dma_start3A_273] : memref<16384x50x128xf32, #tpu.memory_space<hbm>> -> memref<1x50x128xf32, #tpu.memory_space<hbm>>
      %dma_start3A_275 = tpu.memref_squeeze %dma_start3A_274 : memref<1x50x128xf32, #tpu.memory_space<hbm>> -> memref<50x128xf32, #tpu.memory_space<hbm>>
      %dma_start3A_276 = arith.constant 0 : i32
      %dma_start3A_277 = arith.constant 0 : i32
      %dma_start3A_278 = tpu.memref_slice %arg4[%add3A_271, %dma_start3A_276, %dma_start3A_277] : memref<16384x50x128xf32, #tpu.memory_space<hbm>> -> memref<1x50x128xf32, #tpu.memory_space<hbm>>
      %dma_start3A_279 = tpu.memref_squeeze %dma_start3A_278 : memref<1x50x128xf32, #tpu.memory_space<hbm>> -> memref<50x128xf32, #tpu.memory_space<hbm>>
      tpu.enqueue_dma source(%arg11 : memref<50x128xf32, #tpu.memory_space<vmem>>) target(%dma_start3A_279 : memref<50x128xf32, #tpu.memory_space<hbm>>) target_semaphore(%arg27 : memref<!tpu.dma_semaphore, #tpu.memory_space<semaphore_mem>>)
      %add3A_280 = arith.constant 8 : i32
      %add3A_281 = arith.addi %add3A_264, %add3A_280 : i32
      %lt3A_282 = arith.constant 512 : i32
      %lt3A_283 = arith.cmpi slt, %add3A_281, %lt3A_282 : i32
      %convert_element_type3A_284 = arith.extui %lt3A_283 : i1 to i32
      %cond3A_285 = arith.constant 0 : i32
      %cond3A_286 = arith.cmpi ne, %convert_element_type3A_284, %cond3A_285 : i32
      scf.if %cond3A_286 {
        %add3A_335 = arith.addi %mul3A_2, %add3A_264 : i32
        %dma_wait3A_336 = arith.constant 0 : i32
        %dma_wait3A_337 = arith.constant 0 : i32
        %dma_wait3A_338 = tpu.memref_slice %arg4[%add3A_335, %dma_wait3A_336, %dma_wait3A_337] : memref<16384x50x128xf32, #tpu.memory_space<hbm>> -> memref<1x50x128xf32, #tpu.memory_space<hbm>>
        %dma_wait3A_339 = tpu.memref_squeeze %dma_wait3A_338 : memref<1x50x128xf32, #tpu.memory_space<hbm>> -> memref<50x128xf32, #tpu.memory_space<hbm>>
        %dma_wait3A_340 = arith.constant 0 : i32
        %dma_wait3A_341 = arith.constant 0 : i32
        %dma_wait3A_342 = tpu.memref_slice %arg4[%add3A_335, %dma_wait3A_340, %dma_wait3A_341] : memref<16384x50x128xf32, #tpu.memory_space<hbm>> -> memref<1x50x128xf32, #tpu.memory_space<hbm>>
        %dma_wait3A_343 = tpu.memref_squeeze %dma_wait3A_342 : memref<1x50x128xf32, #tpu.memory_space<hbm>> -> memref<50x128xf32, #tpu.memory_space<hbm>>
        tpu.wait_dma2 semaphore(%arg27 : memref<!tpu.dma_semaphore, #tpu.memory_space<semaphore_mem>>) src(%arg11 : memref<50x128xf32, #tpu.memory_space<vmem>>) dst(%dma_wait3A_343 : memref<50x128xf32, #tpu.memory_space<hbm>>)
        %dma_start3A_344 = arith.constant 0 : i32
        %dma_start3A_345 = tpu.memref_slice %arg5[%add3A_281, %dma_start3A_344] : memref<512x50xi32, #tpu.memory_space<vmem>> -> memref<1x50xi32, #tpu.memory_space<vmem>>
        %dma_start3A_346 = tpu.memref_squeeze %dma_start3A_345 : memref<1x50xi32, #tpu.memory_space<vmem>> -> memref<50xi32, #tpu.memory_space<vmem>>
        %dma_start3A_347 = arith.constant 0 : i32
        %dma_start3A_348 = arith.constant 0 : i32
        %dma_start3A_349 = tpu.memref_slice %arg3[%dma_start3A_347, %dma_start3A_348] : memref<1000000x128xf32, #tpu.memory_space<hbm>> -> memref<1000000x128xf32, #tpu.memory_space<hbm>>
        tpu.enqueue_indirect_dma source(%dma_start3A_349 : memref<1000000x128xf32, #tpu.memory_space<hbm>>) target(%arg11 : memref<50x128xf32, #tpu.memory_space<vmem>>) offsets(%dma_start3A_346 : memref<50xi32, #tpu.memory_space<vmem>>) semaphore(%arg19 : memref<!tpu.dma_semaphore, #tpu.memory_space<semaphore_mem>>)
      } else {
      }
      %add3A_287 = arith.constant 6 : i32
      %add3A_288 = arith.addi %add3A_145, %add3A_287 : i32
      %dma_wait3A_289 = arith.constant 0 : i32
      %dma_wait3A_290 = tpu.memref_slice %arg5[%add3A_288, %dma_wait3A_289] : memref<512x50xi32, #tpu.memory_space<vmem>> -> memref<1x50xi32, #tpu.memory_space<vmem>>
      %dma_wait3A_291 = tpu.memref_squeeze %dma_wait3A_290 : memref<1x50xi32, #tpu.memory_space<vmem>> -> memref<50xi32, #tpu.memory_space<vmem>>
      %dma_wait3A_292 = arith.constant 0 : i32
      %dma_wait3A_293 = arith.constant 0 : i32
      %dma_wait3A_294 = tpu.memref_slice %arg3[%dma_wait3A_292, %dma_wait3A_293] : memref<1000000x128xf32, #tpu.memory_space<hbm>> -> memref<1000000x128xf32, #tpu.memory_space<hbm>>
      tpu.wait_indirect_dma semaphore(%arg20 : memref<!tpu.dma_semaphore, #tpu.memory_space<semaphore_mem>>) src(%dma_wait3A_294 : memref<1000000x128xf32, #tpu.memory_space<hbm>>) dst(%arg12 : memref<50x128xf32, #tpu.memory_space<vmem>>)
      %add3A_295 = arith.addi %mul3A_2, %add3A_288 : i32
      %dma_start3A_296 = arith.constant 0 : i32
      %dma_start3A_297 = arith.constant 0 : i32
      %dma_start3A_298 = tpu.memref_slice %arg4[%add3A_295, %dma_start3A_296, %dma_start3A_297] : memref<16384x50x128xf32, #tpu.memory_space<hbm>> -> memref<1x50x128xf32, #tpu.memory_space<hbm>>
      %dma_start3A_299 = tpu.memref_squeeze %dma_start3A_298 : memref<1x50x128xf32, #tpu.memory_space<hbm>> -> memref<50x128xf32, #tpu.memory_space<hbm>>
      %dma_start3A_300 = arith.constant 0 : i32
      %dma_start3A_301 = arith.constant 0 : i32
      %dma_start3A_302 = tpu.memref_slice %arg4[%add3A_295, %dma_start3A_300, %dma_start3A_301] : memref<16384x50x128xf32, #tpu.memory_space<hbm>> -> memref<1x50x128xf32, #tpu.memory_space<hbm>>
      %dma_start3A_303 = tpu.memref_squeeze %dma_start3A_302 : memref<1x50x128xf32, #tpu.memory_space<hbm>> -> memref<50x128xf32, #tpu.memory_space<hbm>>
      tpu.enqueue_dma source(%arg12 : memref<50x128xf32, #tpu.memory_space<vmem>>) target(%dma_start3A_303 : memref<50x128xf32, #tpu.memory_space<hbm>>) target_semaphore(%arg28 : memref<!tpu.dma_semaphore, #tpu.memory_space<semaphore_mem>>)
      %add3A_304 = arith.constant 8 : i32
      %add3A_305 = arith.addi %add3A_288, %add3A_304 : i32
      %lt3A_306 = arith.constant 512 : i32
      %lt3A_307 = arith.cmpi slt, %add3A_305, %lt3A_306 : i32
      %convert_element_type3A_308 = arith.extui %lt3A_307 : i1 to i32
      %cond3A_309 = arith.constant 0 : i32
      %cond3A_310 = arith.cmpi ne, %convert_element_type3A_308, %cond3A_309 : i32
      scf.if %cond3A_310 {
        %add3A_335 = arith.addi %mul3A_2, %add3A_288 : i32
        %dma_wait3A_336 = arith.constant 0 : i32
        %dma_wait3A_337 = arith.constant 0 : i32
        %dma_wait3A_338 = tpu.memref_slice %arg4[%add3A_335, %dma_wait3A_336, %dma_wait3A_337] : memref<16384x50x128xf32, #tpu.memory_space<hbm>> -> memref<1x50x128xf32, #tpu.memory_space<hbm>>
        %dma_wait3A_339 = tpu.memref_squeeze %dma_wait3A_338 : memref<1x50x128xf32, #tpu.memory_space<hbm>> -> memref<50x128xf32, #tpu.memory_space<hbm>>
        %dma_wait3A_340 = arith.constant 0 : i32
        %dma_wait3A_341 = arith.constant 0 : i32
        %dma_wait3A_342 = tpu.memref_slice %arg4[%add3A_335, %dma_wait3A_340, %dma_wait3A_341] : memref<16384x50x128xf32, #tpu.memory_space<hbm>> -> memref<1x50x128xf32, #tpu.memory_space<hbm>>
        %dma_wait3A_343 = tpu.memref_squeeze %dma_wait3A_342 : memref<1x50x128xf32, #tpu.memory_space<hbm>> -> memref<50x128xf32, #tpu.memory_space<hbm>>
        tpu.wait_dma2 semaphore(%arg28 : memref<!tpu.dma_semaphore, #tpu.memory_space<semaphore_mem>>) src(%arg12 : memref<50x128xf32, #tpu.memory_space<vmem>>) dst(%dma_wait3A_343 : memref<50x128xf32, #tpu.memory_space<hbm>>)
        %dma_start3A_344 = arith.constant 0 : i32
        %dma_start3A_345 = tpu.memref_slice %arg5[%add3A_305, %dma_start3A_344] : memref<512x50xi32, #tpu.memory_space<vmem>> -> memref<1x50xi32, #tpu.memory_space<vmem>>
        %dma_start3A_346 = tpu.memref_squeeze %dma_start3A_345 : memref<1x50xi32, #tpu.memory_space<vmem>> -> memref<50xi32, #tpu.memory_space<vmem>>
        %dma_start3A_347 = arith.constant 0 : i32
        %dma_start3A_348 = arith.constant 0 : i32
        %dma_start3A_349 = tpu.memref_slice %arg3[%dma_start3A_347, %dma_start3A_348] : memref<1000000x128xf32, #tpu.memory_space<hbm>> -> memref<1000000x128xf32, #tpu.memory_space<hbm>>
        tpu.enqueue_indirect_dma source(%dma_start3A_349 : memref<1000000x128xf32, #tpu.memory_space<hbm>>) target(%arg12 : memref<50x128xf32, #tpu.memory_space<vmem>>) offsets(%dma_start3A_346 : memref<50xi32, #tpu.memory_space<vmem>>) semaphore(%arg20 : memref<!tpu.dma_semaphore, #tpu.memory_space<semaphore_mem>>)
      } else {
      }
      %add3A_311 = arith.constant 7 : i32
      %add3A_312 = arith.addi %add3A_145, %add3A_311 : i32
      %dma_wait3A_313 = arith.constant 0 : i32
      %dma_wait3A_314 = tpu.memref_slice %arg5[%add3A_312, %dma_wait3A_313] : memref<512x50xi32, #tpu.memory_space<vmem>> -> memref<1x50xi32, #tpu.memory_space<vmem>>
      %dma_wait3A_315 = tpu.memref_squeeze %dma_wait3A_314 : memref<1x50xi32, #tpu.memory_space<vmem>> -> memref<50xi32, #tpu.memory_space<vmem>>
      %dma_wait3A_316 = arith.constant 0 : i32
      %dma_wait3A_317 = arith.constant 0 : i32
      %dma_wait3A_318 = tpu.memref_slice %arg3[%dma_wait3A_316, %dma_wait3A_317] : memref<1000000x128xf32, #tpu.memory_space<hbm>> -> memref<1000000x128xf32, #tpu.memory_space<hbm>>
      tpu.wait_indirect_dma semaphore(%arg21 : memref<!tpu.dma_semaphore, #tpu.memory_space<semaphore_mem>>) src(%dma_wait3A_318 : memref<1000000x128xf32, #tpu.memory_space<hbm>>) dst(%arg13 : memref<50x128xf32, #tpu.memory_space<vmem>>)
      %add3A_319 = arith.addi %mul3A_2, %add3A_312 : i32
      %dma_start3A_320 = arith.constant 0 : i32
      %dma_start3A_321 = arith.constant 0 : i32
      %dma_start3A_322 = tpu.memref_slice %arg4[%add3A_319, %dma_start3A_320, %dma_start3A_321] : memref<16384x50x128xf32, #tpu.memory_space<hbm>> -> memref<1x50x128xf32, #tpu.memory_space<hbm>>
      %dma_start3A_323 = tpu.memref_squeeze %dma_start3A_322 : memref<1x50x128xf32, #tpu.memory_space<hbm>> -> memref<50x128xf32, #tpu.memory_space<hbm>>
      %dma_start3A_324 = arith.constant 0 : i32
      %dma_start3A_325 = arith.constant 0 : i32
      %dma_start3A_326 = tpu.memref_slice %arg4[%add3A_319, %dma_start3A_324, %dma_start3A_325] : memref<16384x50x128xf32, #tpu.memory_space<hbm>> -> memref<1x50x128xf32, #tpu.memory_space<hbm>>
      %dma_start3A_327 = tpu.memref_squeeze %dma_start3A_326 : memref<1x50x128xf32, #tpu.memory_space<hbm>> -> memref<50x128xf32, #tpu.memory_space<hbm>>
      tpu.enqueue_dma source(%arg13 : memref<50x128xf32, #tpu.memory_space<vmem>>) target(%dma_start3A_327 : memref<50x128xf32, #tpu.memory_space<hbm>>) target_semaphore(%arg29 : memref<!tpu.dma_semaphore, #tpu.memory_space<semaphore_mem>>)
      %add3A_328 = arith.constant 8 : i32
      %add3A_329 = arith.addi %add3A_312, %add3A_328 : i32
      %lt3A_330 = arith.constant 512 : i32
      %lt3A_331 = arith.cmpi slt, %add3A_329, %lt3A_330 : i32
      %convert_element_type3A_332 = arith.extui %lt3A_331 : i1 to i32
      %cond3A_333 = arith.constant 0 : i32
      %cond3A_334 = arith.cmpi ne, %convert_element_type3A_332, %cond3A_333 : i32
      scf.if %cond3A_334 {
        %add3A_335 = arith.addi %mul3A_2, %add3A_312 : i32
        %dma_wait3A_336 = arith.constant 0 : i32
        %dma_wait3A_337 = arith.constant 0 : i32
        %dma_wait3A_338 = tpu.memref_slice %arg4[%add3A_335, %dma_wait3A_336, %dma_wait3A_337] : memref<16384x50x128xf32, #tpu.memory_space<hbm>> -> memref<1x50x128xf32, #tpu.memory_space<hbm>>
        %dma_wait3A_339 = tpu.memref_squeeze %dma_wait3A_338 : memref<1x50x128xf32, #tpu.memory_space<hbm>> -> memref<50x128xf32, #tpu.memory_space<hbm>>
        %dma_wait3A_340 = arith.constant 0 : i32
        %dma_wait3A_341 = arith.constant 0 : i32
        %dma_wait3A_342 = tpu.memref_slice %arg4[%add3A_335, %dma_wait3A_340, %dma_wait3A_341] : memref<16384x50x128xf32, #tpu.memory_space<hbm>> -> memref<1x50x128xf32, #tpu.memory_space<hbm>>
        %dma_wait3A_343 = tpu.memref_squeeze %dma_wait3A_342 : memref<1x50x128xf32, #tpu.memory_space<hbm>> -> memref<50x128xf32, #tpu.memory_space<hbm>>
        tpu.wait_dma2 semaphore(%arg29 : memref<!tpu.dma_semaphore, #tpu.memory_space<semaphore_mem>>) src(%arg13 : memref<50x128xf32, #tpu.memory_space<vmem>>) dst(%dma_wait3A_343 : memref<50x128xf32, #tpu.memory_space<hbm>>)
        %dma_start3A_344 = arith.constant 0 : i32
        %dma_start3A_345 = tpu.memref_slice %arg5[%add3A_329, %dma_start3A_344] : memref<512x50xi32, #tpu.memory_space<vmem>> -> memref<1x50xi32, #tpu.memory_space<vmem>>
        %dma_start3A_346 = tpu.memref_squeeze %dma_start3A_345 : memref<1x50xi32, #tpu.memory_space<vmem>> -> memref<50xi32, #tpu.memory_space<vmem>>
        %dma_start3A_347 = arith.constant 0 : i32
        %dma_start3A_348 = arith.constant 0 : i32
        %dma_start3A_349 = tpu.memref_slice %arg3[%dma_start3A_347, %dma_start3A_348] : memref<1000000x128xf32, #tpu.memory_space<hbm>> -> memref<1000000x128xf32, #tpu.memory_space<hbm>>
        tpu.enqueue_indirect_dma source(%dma_start3A_349 : memref<1000000x128xf32, #tpu.memory_space<hbm>>) target(%arg13 : memref<50x128xf32, #tpu.memory_space<vmem>>) offsets(%dma_start3A_346 : memref<50xi32, #tpu.memory_space<vmem>>) semaphore(%arg21 : memref<!tpu.dma_semaphore, #tpu.memory_space<semaphore_mem>>)
      } else {
      }
    }
    %scan3A_61 = arith.constant 64 : i32
    %add3A_62 = arith.constant 504 : i32
    %add3A_63 = arith.addi %mul3A_2, %add3A_62 : i32
    %dma_wait3A = arith.constant 0 : i32
    %dma_wait3A_64 = arith.constant 0 : i32
    %dma_wait3A_65 = tpu.memref_slice %arg4[%add3A_63, %dma_wait3A, %dma_wait3A_64] : memref<16384x50x128xf32, #tpu.memory_space<hbm>> -> memref<1x50x128xf32, #tpu.memory_space<hbm>>
    %dma_wait3A_66 = tpu.memref_squeeze %dma_wait3A_65 : memref<1x50x128xf32, #tpu.memory_space<hbm>> -> memref<50x128xf32, #tpu.memory_space<hbm>>
    %dma_wait3A_67 = arith.constant 0 : i32
    %dma_wait3A_68 = arith.constant 0 : i32
    %dma_wait3A_69 = tpu.memref_slice %arg4[%add3A_63, %dma_wait3A_67, %dma_wait3A_68] : memref<16384x50x128xf32, #tpu.memory_space<hbm>> -> memref<1x50x128xf32, #tpu.memory_space<hbm>>
    %dma_wait3A_70 = tpu.memref_squeeze %dma_wait3A_69 : memref<1x50x128xf32, #tpu.memory_space<hbm>> -> memref<50x128xf32, #tpu.memory_space<hbm>>
    tpu.wait_dma2 semaphore(%arg22 : memref<!tpu.dma_semaphore, #tpu.memory_space<semaphore_mem>>) src(%arg6 : memref<50x128xf32, #tpu.memory_space<vmem>>) dst(%dma_wait3A_70 : memref<50x128xf32, #tpu.memory_space<hbm>>)
    %add3A_71 = arith.constant 505 : i32
    %add3A_72 = arith.addi %mul3A_2, %add3A_71 : i32
    %dma_wait3A_73 = arith.constant 0 : i32
    %dma_wait3A_74 = arith.constant 0 : i32
    %dma_wait3A_75 = tpu.memref_slice %arg4[%add3A_72, %dma_wait3A_73, %dma_wait3A_74] : memref<16384x50x128xf32, #tpu.memory_space<hbm>> -> memref<1x50x128xf32, #tpu.memory_space<hbm>>
    %dma_wait3A_76 = tpu.memref_squeeze %dma_wait3A_75 : memref<1x50x128xf32, #tpu.memory_space<hbm>> -> memref<50x128xf32, #tpu.memory_space<hbm>>
    %dma_wait3A_77 = arith.constant 0 : i32
    %dma_wait3A_78 = arith.constant 0 : i32
    %dma_wait3A_79 = tpu.memref_slice %arg4[%add3A_72, %dma_wait3A_77, %dma_wait3A_78] : memref<16384x50x128xf32, #tpu.memory_space<hbm>> -> memref<1x50x128xf32, #tpu.memory_space<hbm>>
    %dma_wait3A_80 = tpu.memref_squeeze %dma_wait3A_79 : memref<1x50x128xf32, #tpu.memory_space<hbm>> -> memref<50x128xf32, #tpu.memory_space<hbm>>
    tpu.wait_dma2 semaphore(%arg23 : memref<!tpu.dma_semaphore, #tpu.memory_space<semaphore_mem>>) src(%arg7 : memref<50x128xf32, #tpu.memory_space<vmem>>) dst(%dma_wait3A_80 : memref<50x128xf32, #tpu.memory_space<hbm>>)
    %add3A_81 = arith.constant 506 : i32
    %add3A_82 = arith.addi %mul3A_2, %add3A_81 : i32
    %dma_wait3A_83 = arith.constant 0 : i32
    %dma_wait3A_84 = arith.constant 0 : i32
    %dma_wait3A_85 = tpu.memref_slice %arg4[%add3A_82, %dma_wait3A_83, %dma_wait3A_84] : memref<16384x50x128xf32, #tpu.memory_space<hbm>> -> memref<1x50x128xf32, #tpu.memory_space<hbm>>
    %dma_wait3A_86 = tpu.memref_squeeze %dma_wait3A_85 : memref<1x50x128xf32, #tpu.memory_space<hbm>> -> memref<50x128xf32, #tpu.memory_space<hbm>>
    %dma_wait3A_87 = arith.constant 0 : i32
    %dma_wait3A_88 = arith.constant 0 : i32
    %dma_wait3A_89 = tpu.memref_slice %arg4[%add3A_82, %dma_wait3A_87, %dma_wait3A_88] : memref<16384x50x128xf32, #tpu.memory_space<hbm>> -> memref<1x50x128xf32, #tpu.memory_space<hbm>>
    %dma_wait3A_90 = tpu.memref_squeeze %dma_wait3A_89 : memref<1x50x128xf32, #tpu.memory_space<hbm>> -> memref<50x128xf32, #tpu.memory_space<hbm>>
    tpu.wait_dma2 semaphore(%arg24 : memref<!tpu.dma_semaphore, #tpu.memory_space<semaphore_mem>>) src(%arg8 : memref<50x128xf32, #tpu.memory_space<vmem>>) dst(%dma_wait3A_90 : memref<50x128xf32, #tpu.memory_space<hbm>>)
    %add3A_91 = arith.constant 507 : i32
    %add3A_92 = arith.addi %mul3A_2, %add3A_91 : i32
    %dma_wait3A_93 = arith.constant 0 : i32
    %dma_wait3A_94 = arith.constant 0 : i32
    %dma_wait3A_95 = tpu.memref_slice %arg4[%add3A_92, %dma_wait3A_93, %dma_wait3A_94] : memref<16384x50x128xf32, #tpu.memory_space<hbm>> -> memref<1x50x128xf32, #tpu.memory_space<hbm>>
    %dma_wait3A_96 = tpu.memref_squeeze %dma_wait3A_95 : memref<1x50x128xf32, #tpu.memory_space<hbm>> -> memref<50x128xf32, #tpu.memory_space<hbm>>
    %dma_wait3A_97 = arith.constant 0 : i32
    %dma_wait3A_98 = arith.constant 0 : i32
    %dma_wait3A_99 = tpu.memref_slice %arg4[%add3A_92, %dma_wait3A_97, %dma_wait3A_98] : memref<16384x50x128xf32, #tpu.memory_space<hbm>> -> memref<1x50x128xf32, #tpu.memory_space<hbm>>
    %dma_wait3A_100 = tpu.memref_squeeze %dma_wait3A_99 : memref<1x50x128xf32, #tpu.memory_space<hbm>> -> memref<50x128xf32, #tpu.memory_space<hbm>>
    tpu.wait_dma2 semaphore(%arg25 : memref<!tpu.dma_semaphore, #tpu.memory_space<semaphore_mem>>) src(%arg9 : memref<50x128xf32, #tpu.memory_space<vmem>>) dst(%dma_wait3A_100 : memref<50x128xf32, #tpu.memory_space<hbm>>)
    %add3A_101 = arith.constant 508 : i32
    %add3A_102 = arith.addi %mul3A_2, %add3A_101 : i32
    %dma_wait3A_103 = arith.constant 0 : i32
    %dma_wait3A_104 = arith.constant 0 : i32
    %dma_wait3A_105 = tpu.memref_slice %arg4[%add3A_102, %dma_wait3A_103, %dma_wait3A_104] : memref<16384x50x128xf32, #tpu.memory_space<hbm>> -> memref<1x50x128xf32, #tpu.memory_space<hbm>>
    %dma_wait3A_106 = tpu.memref_squeeze %dma_wait3A_105 : memref<1x50x128xf32, #tpu.memory_space<hbm>> -> memref<50x128xf32, #tpu.memory_space<hbm>>
    %dma_wait3A_107 = arith.constant 0 : i32
    %dma_wait3A_108 = arith.constant 0 : i32
    %dma_wait3A_109 = tpu.memref_slice %arg4[%add3A_102, %dma_wait3A_107, %dma_wait3A_108] : memref<16384x50x128xf32, #tpu.memory_space<hbm>> -> memref<1x50x128xf32, #tpu.memory_space<hbm>>
    %dma_wait3A_110 = tpu.memref_squeeze %dma_wait3A_109 : memref<1x50x128xf32, #tpu.memory_space<hbm>> -> memref<50x128xf32, #tpu.memory_space<hbm>>
    tpu.wait_dma2 semaphore(%arg26 : memref<!tpu.dma_semaphore, #tpu.memory_space<semaphore_mem>>) src(%arg10 : memref<50x128xf32, #tpu.memory_space<vmem>>) dst(%dma_wait3A_110 : memref<50x128xf32, #tpu.memory_space<hbm>>)
    %add3A_111 = arith.constant 509 : i32
    %add3A_112 = arith.addi %mul3A_2, %add3A_111 : i32
    %dma_wait3A_113 = arith.constant 0 : i32
    %dma_wait3A_114 = arith.constant 0 : i32
    %dma_wait3A_115 = tpu.memref_slice %arg4[%add3A_112, %dma_wait3A_113, %dma_wait3A_114] : memref<16384x50x128xf32, #tpu.memory_space<hbm>> -> memref<1x50x128xf32, #tpu.memory_space<hbm>>
    %dma_wait3A_116 = tpu.memref_squeeze %dma_wait3A_115 : memref<1x50x128xf32, #tpu.memory_space<hbm>> -> memref<50x128xf32, #tpu.memory_space<hbm>>
    %dma_wait3A_117 = arith.constant 0 : i32
    %dma_wait3A_118 = arith.constant 0 : i32
    %dma_wait3A_119 = tpu.memref_slice %arg4[%add3A_112, %dma_wait3A_117, %dma_wait3A_118] : memref<16384x50x128xf32, #tpu.memory_space<hbm>> -> memref<1x50x128xf32, #tpu.memory_space<hbm>>
    %dma_wait3A_120 = tpu.memref_squeeze %dma_wait3A_119 : memref<1x50x128xf32, #tpu.memory_space<hbm>> -> memref<50x128xf32, #tpu.memory_space<hbm>>
    tpu.wait_dma2 semaphore(%arg27 : memref<!tpu.dma_semaphore, #tpu.memory_space<semaphore_mem>>) src(%arg11 : memref<50x128xf32, #tpu.memory_space<vmem>>) dst(%dma_wait3A_120 : memref<50x128xf32, #tpu.memory_space<hbm>>)
    %add3A_121 = arith.constant 510 : i32
    %add3A_122 = arith.addi %mul3A_2, %add3A_121 : i32
    %dma_wait3A_123 = arith.constant 0 : i32
    %dma_wait3A_124 = arith.constant 0 : i32
    %dma_wait3A_125 = tpu.memref_slice %arg4[%add3A_122, %dma_wait3A_123, %dma_wait3A_124] : memref<16384x50x128xf32, #tpu.memory_space<hbm>> -> memref<1x50x128xf32, #tpu.memory_space<hbm>>
    %dma_wait3A_126 = tpu.memref_squeeze %dma_wait3A_125 : memref<1x50x128xf32, #tpu.memory_space<hbm>> -> memref<50x128xf32, #tpu.memory_space<hbm>>
    %dma_wait3A_127 = arith.constant 0 : i32
    %dma_wait3A_128 = arith.constant 0 : i32
    %dma_wait3A_129 = tpu.memref_slice %arg4[%add3A_122, %dma_wait3A_127, %dma_wait3A_128] : memref<16384x50x128xf32, #tpu.memory_space<hbm>> -> memref<1x50x128xf32, #tpu.memory_space<hbm>>
    %dma_wait3A_130 = tpu.memref_squeeze %dma_wait3A_129 : memref<1x50x128xf32, #tpu.memory_space<hbm>> -> memref<50x128xf32, #tpu.memory_space<hbm>>
    tpu.wait_dma2 semaphore(%arg28 : memref<!tpu.dma_semaphore, #tpu.memory_space<semaphore_mem>>) src(%arg12 : memref<50x128xf32, #tpu.memory_space<vmem>>) dst(%dma_wait3A_130 : memref<50x128xf32, #tpu.memory_space<hbm>>)
    %add3A_131 = arith.constant 511 : i32
    %add3A_132 = arith.addi %mul3A_2, %add3A_131 : i32
    %dma_wait3A_133 = arith.constant 0 : i32
    %dma_wait3A_134 = arith.constant 0 : i32
    %dma_wait3A_135 = tpu.memref_slice %arg4[%add3A_132, %dma_wait3A_133, %dma_wait3A_134] : memref<16384x50x128xf32, #tpu.memory_space<hbm>> -> memref<1x50x128xf32, #tpu.memory_space<hbm>>
    %dma_wait3A_136 = tpu.memref_squeeze %dma_wait3A_135 : memref<1x50x128xf32, #tpu.memory_space<hbm>> -> memref<50x128xf32, #tpu.memory_space<hbm>>
    %dma_wait3A_137 = arith.constant 0 : i32
    %dma_wait3A_138 = arith.constant 0 : i32
    %dma_wait3A_139 = tpu.memref_slice %arg4[%add3A_132, %dma_wait3A_137, %dma_wait3A_138] : memref<16384x50x128xf32, #tpu.memory_space<hbm>> -> memref<1x50x128xf32, #tpu.memory_space<hbm>>
    %dma_wait3A_140 = tpu.memref_squeeze %dma_wait3A_139 : memref<1x50x128xf32, #tpu.memory_space<hbm>> -> memref<50x128xf32, #tpu.memory_space<hbm>>
    tpu.wait_dma2 semaphore(%arg29 : memref<!tpu.dma_semaphore, #tpu.memory_space<semaphore_mem>>) src(%arg13 : memref<50x128xf32, #tpu.memory_space<vmem>>) dst(%dma_wait3A_140 : memref<50x128xf32, #tpu.memory_space<hbm>>)
    return
  }
}

</mosaic_0001>

<sc_bundles>
// kernel: _embedding_lookup.3.cloned.1.call-start
scs
__scs_entry_jumppad:
0x0: {  	(pc) =	sbr.rel $0x88, $3  }
0x1: {  	(tag) =	ssettag $0x0;
	lr =	simm.s32 $0x1  }
0x2: {  	[smem:$0x3F9F] =	sst lr;
	_ =	strace $0xD0000000  }
0x3: {  	_ = 	snop  }
0x4: {  	_ = 	snop  }
0x5: {  	_ = 	snop  }
0x6: {  	_ = 	snop  }
0x7: {  	_ = 	snop  }
__scs_overlays_trampoline_lowered:
0x8: {  	[smem:$0x3FAE] =	sst s0  }
0x9: {  	[smem:$0x3FAF] =	sst s1  }
0xa: {  	[smem:$0x3FB0] =	sst s2  }
0xb: {  	[smem:$0x3FB1] =	sst s3  }
0xc: {  	[smem:$0x3FB2] =	sst s4  }
0xd: {  	[smem:$0x3FB3] =	sst s5  }
0xe: {  	[smem:$0x3FB4] =	sst s6  }
0xf: {  	[smem:$0x3FB5] =	sst s7  }
0x10: {  	[smem:$0x3FB6] =	sst s8  }
0x11: {  	[smem:$0x3FB7] =	sst s9;
	s0 =	simm.s32 @!p0 $0x0  }
0x12: {  	s1 =	sld [smem:$0x3F9D];
	s0 =	simm.s32 @p0 $0x1  }
0x13: {  	[smem:$0x3FB8] =	sst s0;
	s0 =	simm.s32 @!p1 $0x0  }
0x14: {  	s2 =	sld [smem:$0x3F9C];
	s0 =	simm.s32 @p1 $0x1  }
0x15: {  	[smem:$0x3FB9] =	sst s0;
	s0 =	simm.s32 @!p2 $0x0  }
0x16: {  	s3 =	sld [smem:$0x3FDB];
	s0 =	simm.s32 @p2 $0x1  }
0x17: {  	s4 =	simm.s32 $0x1BF5;
	[smem:$0x3FBB] =	sst s0  }
0x18: {  	s0 =	sld [smem:$0x3F9E];
	_ =	swait.ge [sflag:s4], $0x0  }
0x19: {  	s7 =	sld [smem:$0x3F9F]  }
0x1a: {  	s8 =	sadd.s32 $0xFFFFE003, lr  }
0x1b: {  	s9 =	sadd.s32 $0xFFFFFEF7, lr;
	s5 =	simm.s32 $0xFFFFFFFF;
	p2 =	slt.u32 s8, $0xFFFFF086  }
0x1c: {  	p1 =	slt.u32 s9, $0xF7A;
	s5 =	simm.s32 @!p2 $0x0  }
0x1d: {  	s5 =	simm.s32 @p1 $0x1;
	p0 =	seq.s32 s7, s2  }
0x1e: {  	s7 =	smul.u32 @!p0 $0xF7A, s2;
	p2 =	seq.s32 @!p0 s5, $0x0  }
0x1f: {  	s9 =	smul.u32 $0xF7A, s1;
	s8 =	simm.s32 @!p0 $0x1BF5;
	p2 =	por !p2, p0  }
0x20: {  	[sflag:s8] =	ssyncset.s32 @!p0 $0xFFFFF086;
	s6 =	sadd.s32 @!p0 s3, s7;
	s7 =	simm.s32 @!p0 $0x108  }
0x21: {  	s3 =	sadd.s32 s3, s9;
	s6 =	sadd.s32 @!p0 $0x88, s6;
	s7 =	simm.s32 @p2 $0x1082  }
0x22: {  	[simem:s7], [sflag:s8] =	dma.local @!p0 [hbm:s6], $0xF7A  }
0x23: {  	s9 =	sor.u32 $0xD0000000, s2;
	s6 =	simm.s32 $0x108;
	_ =	swait.ge @!p0 [sflag:s8], $0x0  }
0x24: {  	s3 =	sadd.s32 $0x88, s3;
	s6 =	simm.s32 @!p1 $0x1082;
	[sflag:s4] =	ssyncset.s32 $0xFFFFF086  }
0x25: {  	[simem:s6], [sflag:s4] =	dma.local [hbm:s3], $0xF7A  }
0x26: {  	[smem:$0x3F9F] =	sst s1;
	(tag) =	ssettag s2;
	_ =	strace s9  }
0x27: {  	s1 =	sld [smem:$0x3FAF]  }
0x28: {  	s2 =	sld [smem:$0x3FB0]  }
0x29: {  	s4 =	sld [smem:$0x3FB2]  }
0x2a: {  	p0 =	seq.s32 s5, $0x0;
	s5 =	sld [smem:$0x3FB3]  }
0x2b: {  	s6 =	sld [smem:$0x3FB4]  }
0x2c: {  	s7 =	sld [smem:$0x3FB5]  }
0x2d: {  	s3 =	simm.s32 $0x108;
	s8 =	sld [smem:$0x3FB6]  }
0x2e: {  	s3 =	simm.s32 @!p0 $0x1082;
	s9 =	sld [smem:$0x3FB7]  }
0x2f: {  	lr =	sadd.s32 s0, s3;
	s0 =	sld [smem:$0x3FAE]  }
0x30: {  	s3 =	sld [smem:$0x3FB1]  }
0x31: {  	[smem:$0x3FBA] =	sst s10  }
0x32: {  	s10 =	sld [smem:$0x3FB8];
	_ =	sdelay $0x3  }
0x33: {  	p0 =	seq.s32 s10, $0x1;
	s10 =	sld [smem:$0x3FBA];
	_ =	sdelay $0x3  }
0x34: {  	[smem:$0x3FBA] =	sst s10  }
0x35: {  	s10 =	sld [smem:$0x3FB9];
	_ =	sdelay $0x3  }
0x36: {  	p1 =	seq.s32 s10, $0x1;
	s10 =	sld [smem:$0x3FBA];
	_ =	sdelay $0x3  }
0x37: {  	[smem:$0x3FBA] =	sst s10  }
0x38: {  	s10 =	sld [smem:$0x3FBB]  }
0x39: {  	_ = 	snop;
	(pc) =	sbr.ind lr, $3  }
0x3a: {  	_ = 	snop  }
0x3b: {  	_ = 	snop  }
0x3c: {  	p2 =	seq.s32 s10, $0x1;
	s10 =	sld [smem:$0x3FBA]  }
0x3d: {  	_ =	shalt  }
0x3e: {  	_ =	shalt  }
0x3f: {  	_ =	shalt  }
0x40: {  	_ =	shalt  }
0x41: {  	_ =	shalt  }
0x42: {  	_ =	shalt  }
0x43: {  	_ =	shalt  }
0x44: {  	_ =	shalt  }
0x45: {  	_ =	shalt  }
0x46: {  	_ =	shalt  }
0x47: {  	_ =	shalt  }
0x48: {  	_ =	shalt  }
0x49: {  	_ =	shalt  }
0x4a: {  	_ =	shalt  }
0x4b: {  	_ =	shalt  }
0x4c: {  	_ =	shalt  }
0x4d: {  	_ =	shalt  }
0x4e: {  	_ =	shalt  }
0x4f: {  	_ =	shalt  }
0x50: {  	_ =	shalt  }
0x51: {  	_ =	shalt  }
0x52: {  	_ =	shalt  }
0x53: {  	_ =	shalt  }
0x54: {  	_ =	shalt  }
0x55: {  	_ =	shalt  }
0x56: {  	_ =	shalt  }
0x57: {  	_ =	shalt  }
0x58: {  	_ =	shalt  }
0x59: {  	_ =	shalt  }
0x5a: {  	_ =	shalt  }
0x5b: {  	_ =	shalt  }
0x5c: {  	_ =	shalt  }
0x5d: {  	_ =	shalt  }
0x5e: {  	_ =	shalt  }
0x5f: {  	_ =	shalt  }
0x60: {  	_ =	shalt  }
0x61: {  	_ =	shalt  }
0x62: {  	_ =	shalt  }
0x63: {  	_ =	shalt  }
0x64: {  	_ =	shalt  }
0x65: {  	_ =	shalt  }
0x66: {  	_ =	shalt  }
0x67: {  	_ =	shalt  }
0x68: {  	_ =	shalt  }
0x69: {  	_ =	shalt  }
0x6a: {  	_ =	shalt  }
0x6b: {  	_ =	shalt  }
0x6c: {  	_ =	shalt  }
0x6d: {  	_ =	shalt  }
0x6e: {  	_ =	shalt  }
0x6f: {  	_ =	shalt  }
0x70: {  	_ =	shalt  }
0x71: {  	_ =	shalt  }
0x72: {  	_ =	shalt  }
0x73: {  	_ =	shalt  }
0x74: {  	_ =	shalt  }
0x75: {  	_ =	shalt  }
0x76: {  	_ =	shalt  }
0x77: {  	_ =	shalt  }
0x78: {  	_ =	shalt  }
0x79: {  	_ =	shalt  }
0x7a: {  	_ =	shalt  }
0x7b: {  	_ =	shalt  }
0x7c: {  	_ =	shalt  }
0x7d: {  	_ =	shalt  }
0x7e: {  	_ =	shalt  }
0x7f: {  	_ =	shalt  }
0x80: {  	_ =	shalt  }
0x81: {  	_ =	shalt  }
0x82: {  	_ =	shalt  }
0x83: {  	_ =	shalt  }
0x84: {  	_ =	shalt  }
0x85: {  	_ =	shalt  }
0x86: {  	_ =	shalt  }
0x87: {  	_ =	shalt  }
.Lfunc_end0:
.L_simem_size_0:
called_computation_lowered:
.L_overlay_start_0:
0x88: {  	s2 =	sld [smem:$0x3FD9]  }
0x89: {  	s3 =	sld [smem:$0x3FFE];
	_ =	sdelay $0x1  }
0x8a: {  	s1 =	srdreg.scid  }
0x8b: {  	s0 =	sand.u32 $0x1, s1  }
0x8c: {  	s17 =	sshll.u32 s0, $0xA;
	s2 =	sadd.s32 s3, s2  }
0x8d: {  	s2 =	sadd.s32 s2, s17  }
0x8e: {  	[smem:$0x3FC6] =	sst s2  }
0x8f: {  	_ = 	snop  }
0x90: {  	s2 =	sld [smem:$0x3FC8]  }
0x91: {  	s18 =	sld [smem:$0x3FD0];
	(tm) =	ssettm $0x1  }
0x92: {  	s4 =	sld [smem:$0x3FFB];
	_ =	sdelay $0x3  }
0x93: {  	_ =	strace s4  }
0x94: {  	s4 =	sld [smem:$0x3FFC];
	_ =	sdelay $0x3  }
0x95: {  	_ =	strace s4  }
0x96: {  	s4 =	sld [smem:$0x3FFD];
	_ =	sdelay $0x3  }
0x97: {  	_ =	strace s4  }
0x98: {  	_ =	strace $0x8FFFFFFF  }
0x99: {  	s19 =	sld [smem:$0x3FDB];
	_ =	sdelay $0x1  }
0x9a: {  	s5 =	simm.s32 $_scs_section_size  }
0x9b: {  	s6 =	simm.s32 $_size__tile_overlayer_lowered;
	s7 =	simm.s32 $_tile_overlayer_lowered  }
0x9c: {  	s22 =	simm.s32 $0x1BFF;
	s21 =	sshll.u32 s7, $0x1;
	s4 =	sadd.s32 s5, s19  }
0x9d: {  	s8 =	simm.s32 $0x0;
	s20 =	sshll.u32 s6, $0x1;
	s6 =	sadd.s32 s21, s4  }
0x9e: {  	[timem:s8], [sflag:s22] =	dma.local [hbm:s6], s20  }
0x9f: {  	_ =	swait.ge [sflag:s22], s20  }
0xa0: {  	s5 =	ssub.s32 $0x0, s20;
	[sflag:s22] =	ssyncset.done $0x0  }
0xa1: {  	[sflag:s22] =	ssyncadd.s32 s5;
	_ =	sdelay $0x1  }
0xa2: {  	s23 =	simm.s32 $0x1B8B  }
0xa3: {  	_ =	swait.ge [sflag:s23], $0x1  }
0xa4: {  	[sflag:s23] =	ssyncset.done $0x0  }
0xa5: {  	s25 =	simm.s32 $0x1B8E;
	s24 =	sld [smem:$0x3FFE];
	[sflag:s23] =	ssyncadd.s32 $0xFFFFFFFF  }
0xa6: {  	s26 =	simm.s32 $execute0_lowered;
	[smem:$0x3FD2] =	sst s25  }
0xa7: {  	s6 =	sshll.u32 s26, $0x1;
	_ =	strace $0x80000046;
	[dreg:$0x1] =	wrdreg $0xFFFFFFFF  }
0xa8: {  	s28 =	simm.s32 $_size_execute0_lowered;
	s4 =	sadd.s32 s4, s6;
	[dreg:$0x0] =	wrdreg $0x0  }
0xa9: {  	s6 =	sshll.u32 s28, $0x1;
	[dreg:$0x2] =	wrdreg s4  }
0xaa: {  	[dreg:$0x3] =	wrdreg s6  }
0xab: {  	[dreg:$0x4] =	wrdreg $0xC0  }
0xac: {  	_ =	task [dreg:s8], $0x5FFFF  }
0xad: {  	[dreg:$0x1] =	wrdreg $0xFFFFFFFF  }
0xae: {  	[dreg:$0x0] =	wrdreg $0x60  }
0xaf: {  	[dreg:$0x2] =	wrdreg s18  }
0xb0: {  	[dreg:$0x3] =	wrdreg s2  }
0xb1: {  	[dreg:$0x4] =	wrdreg s24  }
0xb2: {  	[dreg:$0x5] =	wrdreg $0x9  }
0xb3: {  	_ =	task.clear_ibuf [dreg:s8], $0x6FFFF;
	_ =	strace $0x90000046  }
0xb4: {  	s29 =	simm.s32 $0x9;
	_ =	strace $0x80000048  }
0xb5: {  	_ =	swait.ge [sflag:s29], $0x1  }
0xb6: {  	[sflag:s29] =	ssyncadd.s32 $0xFFFFFFFF  }
0xb7: {  	_ =	strace $0x90000048  }
0xb8: {  	_ =	sfence  }
0xb9: {  	s30 =	sld [smem:$0x0];
	_ =	sdelay $0x2  }
0xba: {  	s31 =	sshll.u32 s1, $0xD;
	s1 =	sshrl.u32 s1, $0x2  }
0xbb: {  	s3 =	sand.u32 $0x4000, s31;
	s1 =	sadd.s32 s1, s30  }
0xbc: {  	s0 =	sor.u32 s3, s0;
	s1 =	sshll.u32 s1, $0x11  }
0xbd: {  	s0 =	sor.u32 s1, s0  }
0xbe: {  	s0 =	sadd.s32 $0x8F2B, s0  }
0xbf: {  	[sflag:s0] =	ssyncadd.remote.s32 $0x1  }
0xc0: {  	_ =	sfence.sel $0xFFFF  }
0xc1: {  	[dreg:$0x0] =	wrdreg $0xFFFFFFFF;
	(pc) =	sbr.abs _section_cstart, $3  }
0xc2: {  	[dreg:$0x1] =	wrdreg $0xFFFFFFFF  }
0xc3: {  	_ =	task.clear_ibuf [dreg:s8], $0x2FFFF;
	_ =	strace $0x9FFFFFFF  }
0xc4: {  	(tm) =	ssettm $0x7FFFFFFF  }
0xc5: {  	_ =	shalt  }
tec
execute0_lowered:
.L_overlay_start_1:
0x0: {  	(tag) =	ssettag $0x1  }
0x1: {  	s0 =	rddreg [dreg:$0x0]  }
0x2: {  	s1 =	rddreg [dreg:$0x1]  }
0x3: {  	s2 =	rddreg [dreg:$0x2];
	s3 =	simm.s32 $0x0  }
0x4: {  	s4 =	srdreg.scid;
	s7 =	stileid.u32;
	s9 =	simm.s32 $0x10000  }
0x5: {  	s11 =	simm.s32 $0x11C00;
	s13 =	simm.s32 $0x13800;
	s15 =	simm.s32 $0x15400  }
0x6: {  	s17 =	simm.s32 $0x17000;
	s19 =	simm.s32 $0x18C00;
	s21 =	simm.s32 $0x1A800  }
0x7: {  	s23 =	simm.s32 $0x1C400;
	s28 =	simm.s32 $0x4;
	s29 =	simm.s32 $0x5  }
0x8: {  	s30 =	simm.s32 $0x6;
	s31 =	simm.s32 $0x7;
	s14 =	simm.s32 $0xC  }
0x9: {  	s16 =	simm.s32 $0xD;
	s18 =	simm.s32 $0xE;
	s20 =	simm.s32 $0xF  }
0xa: {  	s22 =	simm.s32 $0x10;
	[smem:$0x7FF] =	sst s3;
	s4 =	sand.u32 $0x1, s4  }
0xb: {  	s5 =	smul.u32 $0xE0000, s7;
	s7 =	sshll.u32 s7, $0xE;
	_ =	strace $0x80000047  }
0xc: {  	s6 =	ssub.s32 $0x2, s4;
	s8 =	sshll.u32 s4, $0xD;
	s4 =	smul.u32 $0x70000, s4  }
0xd: {  	s2 =	sadd.s32 s5, s2;
	s24 =	sshrl.u32 s6, $0x1;
	s7 =	sor.u32 s8, s7  }
.Ltmp0:
0xe: {  	s8 =	simm.s32 $0x32;
	s5 =	ssub.s32 s6, s24;
	(pc) =	sbr.rel .LBB2_1-.Ltmp0, $4  }
0xf: {  	s0 =	sadd.s32 s0, s7;
	s25 =	sadd.s32 s4, s2;
	s24 =	simm.s32 $0x1  }
0x10: {  	s4 =	simm.s32 $0x0;
	[dreg:$0x4] =	wrdreg s0;
	s26 =	smax.u32 s5, $0x1  }
0x11: {  	s0 =	sadd.s32 $0x400, s25;
	s25 =	simm.s32 $0x2;
	[dreg:$0x5] =	wrdreg s26  }
0x12: {  	[dreg:$0x6] =	wrdreg s0;
	s26 =	simm.s32 $0x3;
	s0 =	simm.s32 $0x8  }
.LBB2_4:
0x13: {  	s2 =	simm.s32 $0x9  }
0x14: {  	_ =	swait.ge [sflag:s2], $0x1900  }
0x15: {  	[sflag:s2] =	ssyncset.done $0x0  }
0x16: {  	s7 =	simm.s32 $0xA;
	[sflag:s2] =	ssyncadd.s32 $0xFFFFE700  }
0x17: {  	_ =	swait.ge [sflag:s7], $0x1900  }
0x18: {  	[sflag:s7] =	ssyncset.done $0x0  }
0x19: {  	s10 =	simm.s32 $0xB;
	[sflag:s7] =	ssyncadd.s32 $0xFFFFE700  }
0x1a: {  	_ =	swait.ge [sflag:s10], $0x1900  }
0x1b: {  	[sflag:s10] =	ssyncset.done $0x0  }
0x1c: {  	[sflag:s10] =	ssyncadd.s32 $0xFFFFE700  }
0x1d: {  	_ =	swait.ge [sflag:s14], $0x1900  }
0x1e: {  	[sflag:s14] =	ssyncset.done $0x0  }
0x1f: {  	[sflag:s14] =	ssyncadd.s32 $0xFFFFE700  }
0x20: {  	_ =	swait.ge [sflag:s16], $0x1900  }
0x21: {  	[sflag:s16] =	ssyncset.done $0x0  }
0x22: {  	[sflag:s16] =	ssyncadd.s32 $0xFFFFE700  }
0x23: {  	_ =	swait.ge [sflag:s18], $0x1900  }
0x24: {  	[sflag:s18] =	ssyncset.done $0x0  }
0x25: {  	[sflag:s18] =	ssyncadd.s32 $0xFFFFE700  }
0x26: {  	_ =	swait.ge [sflag:s20], $0x1900  }
0x27: {  	[sflag:s20] =	ssyncset.done $0x0  }
0x28: {  	[sflag:s20] =	ssyncadd.s32 $0xFFFFE700  }
0x29: {  	_ =	swait.ge [sflag:s22], $0x1900  }
0x2a: {  	s4 =	sadd.s32 $0x1, s4;
	s12 =	rddreg [dreg:$0x5]  }
0x2b: {  	p0 =	sne.s32 s4, s12  }
.Ltmp1:
0x2c: {  	_ = 	snop;
	(pc) =	sbr.rel @!p0 .LBB2_5-.Ltmp1, $3  }
0x2d: {  	_ =	sdelay $0x1  }
0x2e: {  	[sflag:s22] =	ssyncset.done $0x0  }
0x2f: {  	[sflag:s22] =	ssyncadd.s32 $0xFFFFE700  }
.LBB2_1:
0x30: {  	s2 =	rddreg [dreg:$0x4];
	s7 =	simm.s32 $0x11  }
0x31: {  	[tilespmem:s3], [sflag:$0x11] =	stream.linear.gather [hbm4b:s2+s3], $0x10000, $0x38;
	[tilespmem:$0x1E000] =	vst v63  }
0x32: {  	_ =	swait.ge [sflag:s7], $0x10000  }
0x33: {  	[sflag:s7] =	ssyncset.done $0x0  }
0x34: {  	[sflag:s7] =	ssyncadd.s32 $0xFFFF0000  }
0x35: {  	[tilespmem:s9], [sflag:$0x1] =	stream.indirect.gather [hbm4b:s1+s8], $0x80, s3, s8, $0xb8;
	[tilespmem:$0x1E000] =	vst v63  }
0x36: {  	s10 =	simm.s32 $0x80  }
0x37: {  	[tilespmem:s11], [sflag:$0x2] =	stream.indirect.gather [hbm4b:s1+s8], $0x80, s10, s8, $0xb8;
	[tilespmem:$0x1E000] =	vst v63  }
0x38: {  	s12 =	simm.s32 $0x100  }
0x39: {  	[tilespmem:s13], [sflag:$0x3] =	stream.indirect.gather [hbm4b:s1+s8], $0x80, s12, s8, $0xb8;
	[tilespmem:$0x1E000] =	vst v63  }
0x3a: {  	s5 =	simm.s32 $0x180  }
0x3b: {  	[tilespmem:s15], [sflag:$0x4] =	stream.indirect.gather [hbm4b:s1+s8], $0x80, s5, s8, $0xb8;
	[tilespmem:$0x1E000] =	vst v63  }
0x3c: {  	s6 =	simm.s32 $0x200  }
0x3d: {  	[tilespmem:s17], [sflag:$0x5] =	stream.indirect.gather [hbm4b:s1+s8], $0x80, s6, s8, $0xb8;
	[tilespmem:$0x1E000] =	vst v63  }
0x3e: {  	s7 =	simm.s32 $0x280  }
0x3f: {  	[tilespmem:s19], [sflag:$0x6] =	stream.indirect.gather [hbm4b:s1+s8], $0x80, s7, s8, $0xb8;
	[tilespmem:$0x1E000] =	vst v63  }
0x40: {  	s10 =	simm.s32 $0x300  }
0x41: {  	[tilespmem:s21], [sflag:$0x7] =	stream.indirect.gather [hbm4b:s1+s8], $0x80, s10, s8, $0xb8;
	[tilespmem:$0x1E000] =	vst v63  }
0x42: {  	s12 =	simm.s32 $0x380;
	s5 =	simm.s32 $0x0;
	s6 =	rddreg [dreg:$0x6]  }
0x43: {  	[tilespmem:s23], [sflag:$0x8] =	stream.indirect.gather [hbm4b:s1+s8], $0x80, s12, s8, $0xb8;
	[tilespmem:$0x1E000] =	vst v63  }
.LBB2_2:
0x44: {  	_ =	swait.ge [sflag:s24], $0x1900  }
0x45: {  	p0 =	seq.s32 s5, $0x3F000;
	[sflag:s24] =	ssyncset.done $0x0  }
0x46: {  	s2 =	simm.s32 @!p0 $0x9;
	[sflag:s24] =	ssyncadd.s32 $0xFFFFE700  }
0x47: {  	[hbm4b:s6+s3] =	stream.linear.scatter [tilespmem:s9], [sflag:$0x9], $0x1900, $0x38;
	[tilespmem:$0x1E000] =	vst v63  }
0x48: {  	_ =	swait.ge @!p0 [sflag:s2], $0x1900  }
0x49: {  	s7 =	sshra.s32 @!p0 s5, $0x2;
	s12 =	simm.s32 @!p0 $0x10000;
	[sflag:s2] =	ssyncset.done @!p0 $0x0  }
0x4a: {  	s10 =	sadd.s32 @!p0 $0x400, s7;
	[sflag:s2] =	ssyncadd.s32 @!p0 $0xFFFFE700;
	s2 =	simm.s32 @!p0 $0x32  }
0x4b: {  	[tilespmem:s12], [sflag:$0x1] =	stream.indirect.gather @!p0 [hbm4b:s1+s2], $0x80, s10, s2, $0xb8;
	[tilespmem:$0x1E000] =	vst v63  }
0x4c: {  	_ =	swait.ge [sflag:s25], $0x1900  }
0x4d: {  	[sflag:s25] =	ssyncset.done $0x0  }
0x4e: {  	s12 =	sadd.s32 $0x380, s6;
	s10 =	simm.s32 @!p0 $0xA;
	[sflag:s25] =	ssyncadd.s32 $0xFFFFE700  }
0x4f: {  	[hbm4b:s12+s3] =	stream.linear.scatter [tilespmem:s11], [sflag:$0xA], $0x1900, $0x38;
	[tilespmem:$0x1E000] =	vst v63  }
0x50: {  	_ =	swait.ge @!p0 [sflag:s10], $0x1900  }
0x51: {  	[sflag:s10] =	ssyncset.done @!p0 $0x0  }
0x52: {  	s12 =	simm.s32 @!p0 $0x11C00;
	[sflag:s10] =	ssyncadd.s32 @!p0 $0xFFFFE700;
	s10 =	sadd.s32 @!p0 $0x480, s7  }
0x53: {  	[tilespmem:s12], [sflag:$0x2] =	stream.indirect.gather @!p0 [hbm4b:s1+s2], $0x80, s10, s2, $0xb8;
	[tilespmem:$0x1E000] =	vst v63  }
0x54: {  	_ =	swait.ge [sflag:s26], $0x1900  }
0x55: {  	[sflag:s26] =	ssyncset.done $0x0  }
0x56: {  	s12 =	sadd.s32 $0x700, s6;
	s10 =	simm.s32 @!p0 $0xB;
	[sflag:s26] =	ssyncadd.s32 $0xFFFFE700  }
0x57: {  	[hbm4b:s12+s3] =	stream.linear.scatter [tilespmem:s13], [sflag:$0xB], $0x1900, $0x38;
	[tilespmem:$0x1E000] =	vst v63  }
0x58: {  	_ =	swait.ge @!p0 [sflag:s10], $0x1900  }
0x59: {  	[sflag:s10] =	ssyncset.done @!p0 $0x0  }
0x5a: {  	s12 =	simm.s32 @!p0 $0x13800;
	[sflag:s10] =	ssyncadd.s32 @!p0 $0xFFFFE700;
	s10 =	sadd.s32 @!p0 $0x500, s7  }
0x5b: {  	[tilespmem:s12], [sflag:$0x3] =	stream.indirect.gather @!p0 [hbm4b:s1+s2], $0x80, s10, s2, $0xb8;
	[tilespmem:$0x1E000] =	vst v63  }
0x5c: {  	_ =	swait.ge [sflag:s28], $0x1900  }
0x5d: {  	[sflag:s28] =	ssyncset.done $0x0  }
0x5e: {  	s12 =	sadd.s32 $0xA80, s6;
	s10 =	simm.s32 @!p0 $0xC;
	[sflag:s28] =	ssyncadd.s32 $0xFFFFE700  }
0x5f: {  	[hbm4b:s12+s3] =	stream.linear.scatter [tilespmem:s15], [sflag:$0xC], $0x1900, $0x38;
	[tilespmem:$0x1E000] =	vst v63  }
0x60: {  	_ =	swait.ge @!p0 [sflag:s10], $0x1900  }
0x61: {  	[sflag:s10] =	ssyncset.done @!p0 $0x0  }
0x62: {  	s12 =	simm.s32 @!p0 $0x15400;
	[sflag:s10] =	ssyncadd.s32 @!p0 $0xFFFFE700;
	s10 =	sadd.s32 @!p0 $0x580, s7  }
0x63: {  	[tilespmem:s12], [sflag:$0x4] =	stream.indirect.gather @!p0 [hbm4b:s1+s2], $0x80, s10, s2, $0xb8;
	[tilespmem:$0x1E000] =	vst v63  }
0x64: {  	_ =	swait.ge [sflag:s29], $0x1900  }
0x65: {  	[sflag:s29] =	ssyncset.done $0x0  }
0x66: {  	s12 =	sadd.s32 $0xE00, s6;
	s10 =	simm.s32 @!p0 $0xD;
	[sflag:s29] =	ssyncadd.s32 $0xFFFFE700  }
0x67: {  	[hbm4b:s12+s3] =	stream.linear.scatter [tilespmem:s17], [sflag:$0xD], $0x1900, $0x38;
	[tilespmem:$0x1E000] =	vst v63  }
0x68: {  	_ =	swait.ge @!p0 [sflag:s10], $0x1900  }
0x69: {  	[sflag:s10] =	ssyncset.done @!p0 $0x0  }
0x6a: {  	s12 =	simm.s32 @!p0 $0x17000;
	[sflag:s10] =	ssyncadd.s32 @!p0 $0xFFFFE700;
	s10 =	sadd.s32 @!p0 $0x600, s7  }
0x6b: {  	[tilespmem:s12], [sflag:$0x5] =	stream.indirect.gather @!p0 [hbm4b:s1+s2], $0x80, s10, s2, $0xb8;
	[tilespmem:$0x1E000] =	vst v63  }
0x6c: {  	_ =	swait.ge [sflag:s30], $0x1900  }
0x6d: {  	[sflag:s30] =	ssyncset.done $0x0  }
0x6e: {  	s12 =	sadd.s32 $0x1180, s6;
	s10 =	simm.s32 @!p0 $0xE;
	[sflag:s30] =	ssyncadd.s32 $0xFFFFE700  }
0x6f: {  	[hbm4b:s12+s3] =	stream.linear.scatter [tilespmem:s19], [sflag:$0xE], $0x1900, $0x38;
	[tilespmem:$0x1E000] =	vst v63  }
0x70: {  	_ =	swait.ge @!p0 [sflag:s10], $0x1900  }
0x71: {  	[sflag:s10] =	ssyncset.done @!p0 $0x0  }
0x72: {  	s12 =	simm.s32 @!p0 $0x18C00;
	[sflag:s10] =	ssyncadd.s32 @!p0 $0xFFFFE700;
	s10 =	sadd.s32 @!p0 $0x680, s7  }
0x73: {  	[tilespmem:s12], [sflag:$0x6] =	stream.indirect.gather @!p0 [hbm4b:s1+s2], $0x80, s10, s2, $0xb8;
	[tilespmem:$0x1E000] =	vst v63  }
0x74: {  	_ =	swait.ge [sflag:s31], $0x1900  }
0x75: {  	[sflag:s31] =	ssyncset.done $0x0  }
0x76: {  	s12 =	sadd.s32 $0x1500, s6;
	s10 =	simm.s32 @!p0 $0xF;
	[sflag:s31] =	ssyncadd.s32 $0xFFFFE700  }
0x77: {  	[hbm4b:s12+s3] =	stream.linear.scatter [tilespmem:s21], [sflag:$0xF], $0x1900, $0x38;
	[tilespmem:$0x1E000] =	vst v63  }
0x78: {  	_ =	swait.ge @!p0 [sflag:s10], $0x1900  }
0x79: {  	[sflag:s10] =	ssyncset.done @!p0 $0x0  }
0x7a: {  	s7 =	sadd.s32 @!p0 $0x700, s7;
	[sflag:s10] =	ssyncadd.s32 @!p0 $0xFFFFE700;
	s10 =	simm.s32 @!p0 $0x1A800  }
0x7b: {  	[tilespmem:s10], [sflag:$0x7] =	stream.indirect.gather @!p0 [hbm4b:s1+s2], $0x80, s7, s2, $0xb8;
	[tilespmem:$0x1E000] =	vst v63  }
.Ltmp2:
0x7c: {  	_ = 	snop;
	(pc) =	sbr.rel @p0 .LBB2_4-.Ltmp2, $4  }
0x7d: {  	_ =	swait.ge [sflag:s0], $0x1900  }
0x7e: {  	[sflag:s0] =	ssyncset.done $0x0  }
0x7f: {  	s12 =	sadd.s32 $0x1880, s6;
	[sflag:s0] =	ssyncadd.s32 $0xFFFFE700  }
0x80: {  	[hbm4b:s12+s3] =	stream.linear.scatter [tilespmem:s23], [sflag:$0x10], $0x1900, $0x38;
	[tilespmem:$0x1E000] =	vst v63  }
.Ltmp3:
0x81: {  	(pc) =	sbr.rel .LBB2_2-.Ltmp3, $4  }
0x82: {  	_ =	swait.ge [sflag:s22], $0x1900  }
0x83: {  	s2 =	sshra.s32 s5, $0x2;
	s5 =	sadd.s32 $0x1000, s5;
	[sflag:s22] =	ssyncset.done $0x0  }
0x84: {  	s6 =	sadd.s32 $0x1C00, s6;
	s2 =	sadd.s32 $0x780, s2;
	[sflag:s22] =	ssyncadd.s32 $0xFFFFE700  }
0x85: {  	[tilespmem:s23], [sflag:$0x8] =	stream.indirect.gather [hbm4b:s1+s8], $0x80, s2, s8, $0xb8;
	[tilespmem:$0x1E000] =	vst v63  }
.LBB2_5:
0x86: {  	_ =	sfence.sel $0x180000  }
0x87: {  	[bflag:$0x0] =	sbarrier.arrive $0xFFFF  }
0x88: {  	_ =	strace $0x90000047  }
0x89: {  	s0 =	stileid.u32;
	[bflag:$0x2] =	sbarrier.arrive $0xFFFF  }
0x8a: {  	p0 =	sne.s32 s0, $0x0;
	s0 =	rddreg [dreg:$0x3]  }
0x8b: {  	s0 =	sadd.s32 @!p0 $0x100000, s0  }
0x8c: {  	[sflag:s0] =	ssyncadd.tile.s32 @!p0 $0x1;
	_ =	shalt  }
.Lfunc_end2:
_tile_overlayer_lowered:
.L_overlay_start_2:
0x8d: {  	(tag) =	ssettag $0x2  }
0x8e: {  	s0 =	rddreg [dreg:$0x0];
	s2 =	stileid.u32  }
0x8f: {  	s1 =	rddreg [dreg:$0x1];
	p0 =	sne.s32 s2, $0x0  }
0x90: {  	s3 =	rddreg [dreg:$0x2];
	[bflag:$0x3] =	sbarrier.arrive $0xFFFF;
	s2 =	simm.s32 @!p0 $0x1C11  }
0x91: {  	[timem:s3], [sflag:s2] =	dma.local @!p0 [hbm:s0], s1  }
0x92: {  	s0 =	simm.s32 @!p0 $0x11  }
0x93: {  	_ =	swait.ge @!p0 [sflag:s0], s1  }
0x94: {  	s1 =	ssub.s32 @!p0 $0x0, s1;
	[sflag:s0] =	ssyncset.done @!p0 $0x0  }
0x95: {  	[sflag:s0] =	ssyncadd.s32 @!p0 s1  }
0x96: {  	[bflag:$0x3] =	sbarrier.arrive $0xFFFF  }
0x97: {  	_ =	shalt  }

</sc_bundles>
